<compile_context>
chip_gen: v7x
topology: tpu7x:2x2x1
jax: 0.10.2.dev20260603
libtpu: 0.0.44.dev20260713+nightly
codegen_flags: <defaults>
</compile_context>

<pallas_src>
import functools

import jax
import jax.numpy as jnp
from jax import lax
from jax.experimental import pallas as pl
from jax.experimental.pallas import tpu as pltpu
from jax.experimental.pallas import tpu_sc as plsc

EPS = 1e-5

NC = 2
NS = 16
K = 128



def _mesh():
    return plsc.VectorSubcoreMesh(core_axis_name="c", subcore_axis_name="s",
                                  num_cores=NC, num_subcores=NS)


NBUF = 4


@functools.partial(jax.jit, static_argnames=("n_acc", "ch2", "with_cnt"))
def _sc_segment_sum(h2, src4, dst3, zrows, zcnt, ones, *, n_acc, ch2,
                    with_cnt):
    HD = h2.shape[1]
    rpt = n_acc // NS

    out_type = [jax.ShapeDtypeStruct((NC, n_acc, HD), jnp.float32)]
    scratch = [
        pltpu.VMEM((ch2, K), jnp.int32),
        pltpu.VMEM((ch2, K), jnp.int32),
        [pltpu.VMEM((K, HD), jnp.float32) for _ in range(NBUF)],
        pltpu.VMEM_SHARED((n_acc, HD), jnp.float32),
        [pltpu.SemaphoreType.DMA for _ in range(NBUF)],
        [pltpu.SemaphoreType.DMA for _ in range(NBUF)],
    ]
    if with_cnt:
        out_type.append(jax.ShapeDtypeStruct((NC, n_acc, 16), jnp.float32))
        scratch.append(pltpu.VMEM((K, 16), jnp.float32))
        scratch.append(pltpu.VMEM_SHARED((n_acc, 16), jnp.float32))

    def body(h_hbm, src_hbm, dst_hbm, z_hbm, zc_hbm, ones_hbm, *rest):
        if with_cnt:
            (p_hbm, c_hbm, src_v, dst_v, bufs, acc, gsem, ssem,
             ones_v, cnt) = rest
        else:
            (p_hbm, src_v, dst_v, bufs, acc, gsem, ssem) = rest
        c = lax.axis_index("c")
        s = lax.axis_index("s")

        pltpu.sync_copy(src_hbm.at[c, s], src_v)
        pltpu.sync_copy(dst_hbm.at[s], dst_v)
        r0 = s * rpt
        nfull, rem = rpt // K, rpt % K
        for r in range(nfull):
            pltpu.sync_copy(z_hbm, acc.at[pl.ds(r0 + r * K, K)])
        if rem:
            pltpu.sync_copy(z_hbm.at[pl.ds(0, rem)],
                            acc.at[pl.ds(r0 + nfull * K, rem)])
        if with_cnt:
            pltpu.sync_copy(zc_hbm, cnt.at[pl.ds(r0, rpt)])
            pltpu.sync_copy(ones_hbm, ones_v)
        plsc.subcore_barrier()

        def gather(cc, b):
            return pltpu.async_copy(h_hbm.at[src_v.at[cc]], bufs[b], gsem[b])

        def scatter(cc, b):
            return pltpu.async_copy(bufs[b], acc.at[dst_v.at[cc]], ssem[b],
                                    add=True)

        for b in range(NBUF):
            gather(b, b)

        @pl.loop(0, ch2 // NBUF)
        def _(r):
            c0 = r * NBUF
            for b in range(NBUF):
                cc = c0 + b
                pltpu.make_async_copy(h_hbm.at[src_v.at[cc]], bufs[b],
                                      gsem[b]).wait()
                scatter(cc, b)
                if with_cnt:
                    @pl.when(c == (b % 2))
                    def _():
                        pltpu.sync_copy(ones_v, cnt.at[dst_v.at[cc]],
                                        add=True)
            for b in range(NBUF):
                cc = c0 + b + NBUF

                @pl.when(cc < ch2)
                def _():
                    pltpu.make_async_copy(bufs[b], acc.at[dst_v.at[c0 + b]],
                                          ssem[b]).wait()
                    gather(cc, b)

        for b in range(NBUF):
            pltpu.make_async_copy(bufs[b], acc.at[dst_v.at[ch2 - NBUF + b]],
                                  ssem[b]).wait()

        plsc.subcore_barrier()
        pltpu.sync_copy(acc.at[pl.ds(r0, rpt)], p_hbm.at[c, pl.ds(r0, rpt)])
        if with_cnt:
            pltpu.sync_copy(cnt.at[pl.ds(r0, rpt)], c_hbm.at[c, pl.ds(r0, rpt)])

    k = pl.kernel(body, out_type=out_type, mesh=_mesh(),
                  scratch_types=scratch,
                  compiler_params=pltpu.CompilerParams(
                      use_tc_tiling_on_sc=False))
    return k(h2, src4, dst3, zrows, zcnt, ones)



def _tc_layer(P, C, h, WlT, bl, WrT, g, be, rm, rv, *, residual, bm,
              head=None):
    N, D = h.shape

    def body(p_ref, c_ref, h_ref, wl_ref, bl_ref, wr_ref, g_ref, be_ref,
             rm_ref, rv_ref, *rest):
        o_ref = rest[-1]
        pr = jnp.concatenate([p_ref[0], p_ref[1]], axis=1)
        cnt = c_ref[0] + c_ref[1]
        inv = 1.0 / jnp.maximum(cnt[:, 0:1], 1.0)
        agg = pr * inv
        hblk = h_ref[...]
        z = jnp.dot(agg, wl_ref[...], preferred_element_type=jnp.float32)
        z = z + jnp.dot(hblk, wr_ref[...], preferred_element_type=jnp.float32)
        z = z + bl_ref[...]
        scale = g_ref[...] * lax.rsqrt(rv_ref[...] + EPS)
        z = (z - rm_ref[...]) * scale + be_ref[...]
        z = jnp.maximum(z, 0.0)
        if residual:
            z = z + hblk
        if head is not None:
            w1_ref, b1_ref, w2_ref, b2_ref, w3_ref, b3_ref = rest[:-1]
            z = jnp.dot(z, w1_ref[...], preferred_element_type=jnp.float32)
            z = jnp.maximum(z + b1_ref[...], 0.0)
            z = jnp.dot(z, w2_ref[...], preferred_element_type=jnp.float32)
            z = jnp.maximum(z + b2_ref[...], 0.0)
            z = jnp.dot(z, w3_ref[...], preferred_element_type=jnp.float32)
            z = jax.nn.sigmoid(z + b3_ref[...])
        o_ref[...] = z

    in_specs = [
        pl.BlockSpec((2, bm, D // 2), lambda i: (0, i, 0)),
        pl.BlockSpec((2, bm, 16), lambda i: (0, i, 0)),
        pl.BlockSpec((bm, D), lambda i: (i, 0)),
        pl.BlockSpec((D, D), lambda i: (0, 0)),
        pl.BlockSpec((1, D), lambda i: (0, 0)),
        pl.BlockSpec((D, D), lambda i: (0, 0)),
        pl.BlockSpec((1, D), lambda i: (0, 0)),
        pl.BlockSpec((1, D), lambda i: (0, 0)),
        pl.BlockSpec((1, D), lambda i: (0, 0)),
        pl.BlockSpec((1, D), lambda i: (0, 0)),
    ]
    args = [P[:, :N], C[:, :N], h, WlT, bl, WrT, g, be, rm, rv]
    if head is None:
        out_w = D
    else:
        W1T, b1, W2T, b2, W3T, b3 = head
        H1, H2 = W1T.shape[1], W2T.shape[1]
        in_specs += [
            pl.BlockSpec((D, H1), lambda i: (0, 0)),
            pl.BlockSpec((1, H1), lambda i: (0, 0)),
            pl.BlockSpec((H1, H2), lambda i: (0, 0)),
            pl.BlockSpec((1, H2), lambda i: (0, 0)),
            pl.BlockSpec((H2, 1), lambda i: (0, 0)),
            pl.BlockSpec((1, 1), lambda i: (0, 0)),
        ]
        args += [W1T, b1, W2T, b2, W3T, b3]
        out_w = 1

    return pl.pallas_call(
        body,
        grid=(N // bm,),
        in_specs=in_specs,
        out_specs=pl.BlockSpec((bm, out_w), lambda i: (i, 0)),
        out_shape=jax.ShapeDtypeStruct((N, out_w), jnp.float32),
    )(*args)



def kernel(x, edge_index, Wl1, bl1, Wr1, Wl2, bl2, Wr2, Wl3, bl3, Wr3,
           g1, be1, rm1, rv1, g2, be2, rm2, rv2, g3, be3, rm3, rv3,
           Wf1, bf1, Wf2, bf2, Wf3, bf3):
    N, D = x.shape
    E = edge_index.shape[1]
    NW = NC * NS

    ch = -(-E // (NW * K))
    ch = ch + (ch % 2)
    ch2 = 2 * ch
    e_pad = NS * ch2 * K
    n_acc = -(-(N + 32) // 128) * 128
    n_dummy = n_acc - N
    rpt = n_acc // NS

    pad = e_pad - E
    src = edge_index[0].astype(jnp.int32)
    dst = edge_index[1].astype(jnp.int32)
    ar = jnp.arange(pad, dtype=jnp.int32)
    src_p = jnp.concatenate([src, (ar * 7) % N])
    dst_p = jnp.concatenate([dst, N + ar % n_dummy])
    s2 = (src_p * 2).reshape(ch2, NS, K).swapaxes(0, 1)
    src4 = jnp.stack([s2, s2 + 1])
    dst3 = dst_p.reshape(ch2, NS, K).swapaxes(0, 1)

    zrows = jnp.zeros((K, D // 2), jnp.float32)
    zcnt = jnp.zeros((rpt, 16), jnp.float32)
    ones = jnp.ones((K, 16), jnp.float32)

    r2 = lambda v: v.reshape(1, -1)
    h2v = lambda h: h.reshape(2 * N, D // 2)
    bm = 1000

    P1, C = _sc_segment_sum(h2v(x), src4, dst3, zrows, zcnt, ones,
                            n_acc=n_acc, ch2=ch2, with_cnt=True)
    h1 = _tc_layer(P1, C, x, Wl1.T, r2(bl1), Wr1.T, r2(g1), r2(be1),
                   r2(rm1), r2(rv1), residual=False, bm=bm)
    (P2,) = _sc_segment_sum(h2v(h1), src4, dst3, zrows, zcnt, ones,
                            n_acc=n_acc, ch2=ch2, with_cnt=False)
    h2 = _tc_layer(P2, C, h1, Wl2.T, r2(bl2), Wr2.T, r2(g2), r2(be2),
                   r2(rm2), r2(rv2), residual=True, bm=bm)
    (P3,) = _sc_segment_sum(h2v(h2), src4, dst3, zrows, zcnt, ones,
                            n_acc=n_acc, ch2=ch2, with_cnt=False)
    return _tc_layer(P3, C, h2, Wl3.T, r2(bl3), Wr3.T, r2(g3), r2(be3),
                     r2(rm3), r2(rv3), residual=True, bm=bm,
                     head=(Wf1.T, r2(bf1), Wf2.T, r2(bf2), Wf3.T, r2(bf3)))

# --- scband reference (transcript-rebuilt; emitter-appended) ---
"""Pipeline reference for scband-fraud-gnn-30717606101624 (READ-ONLY COPY).

The authoritative reference and input builder live on the scoring server;
editing this copy changes nothing except your own understanding.
"""

import jax, jax.numpy as jnp
import numpy as np

N = 10000
E = 320000
D = 128
H = 128
EPS = 1e-5


def _p(k, shape, scale=0.05):
    return scale * jax.random.normal(k, shape, dtype=jnp.float32)


def setup_inputs(seed: int = 0) -> dict:
    key = jax.random.key(seed)
    ks = jax.random.split(key, 40)
    inp = {}
    inp['x'] = jax.random.normal(ks[0], (N, D), dtype=jnp.float32)
    inp['edge_index'] = jax.random.randint(ks[1], (2, E), 0, N)
    # SAGEConv params: lin_l (neighbor path, with bias), lin_r (root path, no bias)
    inp['Wl1'] = _p(ks[2], (H, D)); inp['bl1'] = jnp.zeros((H,), jnp.float32); inp['Wr1'] = _p(ks[3], (H, D))
    inp['Wl2'] = _p(ks[4], (H, H)); inp['bl2'] = jnp.zeros((H,), jnp.float32); inp['Wr2'] = _p(ks[5], (H, H))
    inp['Wl3'] = _p(ks[6], (H, H)); inp['bl3'] = jnp.zeros((H,), jnp.float32); inp['Wr3'] = _p(ks[7], (H, H))
    # BatchNorm params + running stats (eval mode)
    for i in range(1, 4):
        inp[f'g{i}'] = jnp.ones((H,), jnp.float32)
        inp[f'be{i}'] = jnp.zeros((H,), jnp.float32)
        inp[f'rm{i}'] = jnp.zeros((H,), jnp.float32)
        inp[f'rv{i}'] = jnp.ones((H,), jnp.float32)
    # MLP head
    inp['Wf1'] = _p(ks[8], (64, H)); inp['bf1'] = jnp.zeros((64,), jnp.float32)
    inp['Wf2'] = _p(ks[9], (32, 64)); inp['bf2'] = jnp.zeros((32,), jnp.float32)
    inp['Wf3'] = _p(ks[10], (1, 32)); inp['bf3'] = jnp.zeros((1,), jnp.float32)
    return inp


def _sage(x, src, dst, Wl, bl, Wr):
    msg = x[src]
    agg = jax.ops.segment_sum(msg, dst, num_segments=N)
    cnt = jax.ops.segment_sum(jnp.ones((dst.shape[0],), x.dtype), dst, num_segments=N)
    agg = agg / jnp.clip(cnt, 1.0, None)[:, None]
    return agg @ Wl.T + bl + x @ Wr.T


def _bn(x, g, b, rm, rv):
    return (x - rm) / jnp.sqrt(rv + EPS) * g + b


def reference(x, edge_index, Wl1, bl1, Wr1, Wl2, bl2, Wr2, Wl3, bl3, Wr3,
              g1, be1, rm1, rv1, g2, be2, rm2, rv2, g3, be3, rm3, rv3,
              Wf1, bf1, Wf2, bf2, Wf3, bf3):
    src = edge_index[0]
    dst = edge_index[1]
    # layer 1
    h = _sage(x, src, dst, Wl1, bl1, Wr1)
    h = _bn(h, g1, be1, rm1, rv1)
    h = jax.nn.relu(h)
    # layer 2 with residual
    hres = h
    h = _sage(h, src, dst, Wl2, bl2, Wr2)
    h = _bn(h, g2, be2, rm2, rv2)
    h = jax.nn.relu(h)
    h = h + hres
    # layer 3 with residual
    hres = h
    h = _sage(h, src, dst, Wl3, bl3, Wr3)
    h = _bn(h, g3, be3, rm3, rv3)
    h = jax.nn.relu(h)
    h = h + hres
    # MLP head (dropout = identity in eval)
    h = jax.nn.relu(h @ Wf1.T + bf1)
    h = jax.nn.relu(h @ Wf2.T + bf2)
    h = h @ Wf3.T + bf3
    return jax.nn.sigmoid(h)

if __name__ == "__main__":
    import jax
    _d = setup_inputs()
    print(jax.jit(kernel)(*tuple(_d.values())))

</pallas_src>

<mosaic_0001>
#map = affine_map<(d0, d1) -> (0, 0)>
#map1 = affine_map<(d0, d1) -> (0, 0, 0, 0)>
#map2 = affine_map<(d0, d1) -> (0, 0, 0)>
module attributes {stable_mosaic.version = 14 : i64} {
  func.func @body(%arg0: i32, %arg1: i32, %arg2: memref<20000x64xf32, #tpu.memory_space<hbm>>, %arg3: memref<2x16x160x128xi32, #tpu.memory_space<hbm>>, %arg4: memref<16x160x128xi32, #tpu.memory_space<hbm>>, %arg5: memref<128x64xf32, #tpu.memory_space<hbm>>, %arg6: memref<632x16xf32, #tpu.memory_space<hbm>>, %arg7: memref<128x16xf32, #tpu.memory_space<hbm>>, %arg8: memref<2x10112x64xf32, #tpu.memory_space<hbm>>, %arg9: memref<2x10112x16xf32, #tpu.memory_space<hbm>>, %arg10: memref<160x128xi32, #tpu.memory_space<vmem>>, %arg11: memref<160x128xi32, #tpu.memory_space<vmem>>, %arg12: memref<128x64xf32, #tpu.memory_space<vmem>>, %arg13: memref<128x64xf32, #tpu.memory_space<vmem>>, %arg14: memref<128x64xf32, #tpu.memory_space<vmem>>, %arg15: memref<128x64xf32, #tpu.memory_space<vmem>>, %arg16: memref<10112x64xf32, #tpu.memory_space<vmem_shared>>, %arg17: memref<!tpu.dma_semaphore, #tpu.memory_space<semaphore_mem>>, %arg18: memref<!tpu.dma_semaphore, #tpu.memory_space<semaphore_mem>>, %arg19: memref<!tpu.dma_semaphore, #tpu.memory_space<semaphore_mem>>, %arg20: memref<!tpu.dma_semaphore, #tpu.memory_space<semaphore_mem>>, %arg21: memref<!tpu.dma_semaphore, #tpu.memory_space<semaphore_mem>>, %arg22: memref<!tpu.dma_semaphore, #tpu.memory_space<semaphore_mem>>, %arg23: memref<!tpu.dma_semaphore, #tpu.memory_space<semaphore_mem>>, %arg24: memref<!tpu.dma_semaphore, #tpu.memory_space<semaphore_mem>>, %arg25: memref<128x16xf32, #tpu.memory_space<vmem>>, %arg26: memref<10112x16xf32, #tpu.memory_space<vmem_shared>>) attributes {dimension_semantics = [#tpu.dimension_semantics<core_parallel>, #tpu.dimension_semantics<subcore_parallel>], iteration_bounds = array<i64: 2, 16>, scalar_prefetch = 0 : i64, scratch_operands = 17 : i64, tpu.core_type = #tpu.core_type<sc_vector_subcore>, window_params = [{transform_indices = #map}, {transform_indices = #map1}, {transform_indices = #map2}, {transform_indices = #map}, {transform_indices = #map}, {transform_indices = #map}, {transform_indices = #map2}, {transform_indices = #map2}]} {
    "tpu.region"() ({
      %run_scoped3A = tpu.sem_alloc : memref<!tpu.dma_semaphore, #tpu.memory_space<semaphore_mem>>
      %dma_start3A_69 = arith.constant 0 : i32
      %dma_start3A_70 = arith.constant 0 : i32
      %dma_start3A_71 = tpu.memref_slice %arg3[%arg0, %arg1, %dma_start3A_69, %dma_start3A_70] : memref<2x16x160x128xi32, #tpu.memory_space<hbm>> -> memref<1x1x160x128xi32, #tpu.memory_space<hbm>>
      %dma_start3A_72 = tpu.memref_squeeze %dma_start3A_71 : memref<1x1x160x128xi32, #tpu.memory_space<hbm>> -> memref<160x128xi32, #tpu.memory_space<hbm>>
      %dma_start3A_73 = arith.constant 0 : i32
      %dma_start3A_74 = arith.constant 0 : i32
      %dma_start3A_75 = tpu.memref_slice %arg3[%arg0, %arg1, %dma_start3A_73, %dma_start3A_74] : memref<2x16x160x128xi32, #tpu.memory_space<hbm>> -> memref<1x1x160x128xi32, #tpu.memory_space<hbm>>
      %dma_start3A_76 = tpu.memref_squeeze %dma_start3A_75 : memref<1x1x160x128xi32, #tpu.memory_space<hbm>> -> memref<160x128xi32, #tpu.memory_space<hbm>>
      tpu.enqueue_dma source(%dma_start3A_76 : memref<160x128xi32, #tpu.memory_space<hbm>>) target(%arg10 : memref<160x128xi32, #tpu.memory_space<vmem>>) target_semaphore(%run_scoped3A : memref<!tpu.dma_semaphore, #tpu.memory_space<semaphore_mem>>)
      %dma_wait3A_77 = arith.constant 0 : i32
      %dma_wait3A_78 = arith.constant 0 : i32
      %dma_wait3A_79 = tpu.memref_slice %arg3[%arg0, %arg1, %dma_wait3A_77, %dma_wait3A_78] : memref<2x16x160x128xi32, #tpu.memory_space<hbm>> -> memref<1x1x160x128xi32, #tpu.memory_space<hbm>>
      %dma_wait3A_80 = tpu.memref_squeeze %dma_wait3A_79 : memref<1x1x160x128xi32, #tpu.memory_space<hbm>> -> memref<160x128xi32, #tpu.memory_space<hbm>>
      %dma_wait3A_81 = arith.constant 0 : i32
      %dma_wait3A_82 = arith.constant 0 : i32
      %dma_wait3A_83 = tpu.memref_slice %arg3[%arg0, %arg1, %dma_wait3A_81, %dma_wait3A_82] : memref<2x16x160x128xi32, #tpu.memory_space<hbm>> -> memref<1x1x160x128xi32, #tpu.memory_space<hbm>>
      %dma_wait3A_84 = tpu.memref_squeeze %dma_wait3A_83 : memref<1x1x160x128xi32, #tpu.memory_space<hbm>> -> memref<160x128xi32, #tpu.memory_space<hbm>>
      tpu.wait_dma2 semaphore(%run_scoped3A : memref<!tpu.dma_semaphore, #tpu.memory_space<semaphore_mem>>) src(%dma_wait3A_84 : memref<160x128xi32, #tpu.memory_space<hbm>>) dst(%arg10 : memref<160x128xi32, #tpu.memory_space<vmem>>)
      tpu.yield
    }) : () -> ()
    "tpu.region"() ({
      %run_scoped3A = tpu.sem_alloc : memref<!tpu.dma_semaphore, #tpu.memory_space<semaphore_mem>>
      %dma_start3A_69 = arith.constant 0 : i32
      %dma_start3A_70 = arith.constant 0 : i32
      %dma_start3A_71 = tpu.memref_slice %arg4[%arg1, %dma_start3A_69, %dma_start3A_70] : memref<16x160x128xi32, #tpu.memory_space<hbm>> -> memref<1x160x128xi32, #tpu.memory_space<hbm>>
      %dma_start3A_72 = tpu.memref_squeeze %dma_start3A_71 : memref<1x160x128xi32, #tpu.memory_space<hbm>> -> memref<160x128xi32, #tpu.memory_space<hbm>>
      %dma_start3A_73 = arith.constant 0 : i32
      %dma_start3A_74 = arith.constant 0 : i32
      %dma_start3A_75 = tpu.memref_slice %arg4[%arg1, %dma_start3A_73, %dma_start3A_74] : memref<16x160x128xi32, #tpu.memory_space<hbm>> -> memref<1x160x128xi32, #tpu.memory_space<hbm>>
      %dma_start3A_76 = tpu.memref_squeeze %dma_start3A_75 : memref<1x160x128xi32, #tpu.memory_space<hbm>> -> memref<160x128xi32, #tpu.memory_space<hbm>>
      tpu.enqueue_dma source(%dma_start3A_76 : memref<160x128xi32, #tpu.memory_space<hbm>>) target(%arg11 : memref<160x128xi32, #tpu.memory_space<vmem>>) target_semaphore(%run_scoped3A : memref<!tpu.dma_semaphore, #tpu.memory_space<semaphore_mem>>)
      %dma_wait3A_77 = arith.constant 0 : i32
      %dma_wait3A_78 = arith.constant 0 : i32
      %dma_wait3A_79 = tpu.memref_slice %arg4[%arg1, %dma_wait3A_77, %dma_wait3A_78] : memref<16x160x128xi32, #tpu.memory_space<hbm>> -> memref<1x160x128xi32, #tpu.memory_space<hbm>>
      %dma_wait3A_80 = tpu.memref_squeeze %dma_wait3A_79 : memref<1x160x128xi32, #tpu.memory_space<hbm>> -> memref<160x128xi32, #tpu.memory_space<hbm>>
      %dma_wait3A_81 = arith.constant 0 : i32
      %dma_wait3A_82 = arith.constant 0 : i32
      %dma_wait3A_83 = tpu.memref_slice %arg4[%arg1, %dma_wait3A_81, %dma_wait3A_82] : memref<16x160x128xi32, #tpu.memory_space<hbm>> -> memref<1x160x128xi32, #tpu.memory_space<hbm>>
      %dma_wait3A_84 = tpu.memref_squeeze %dma_wait3A_83 : memref<1x160x128xi32, #tpu.memory_space<hbm>> -> memref<160x128xi32, #tpu.memory_space<hbm>>
      tpu.wait_dma2 semaphore(%run_scoped3A : memref<!tpu.dma_semaphore, #tpu.memory_space<semaphore_mem>>) src(%dma_wait3A_84 : memref<160x128xi32, #tpu.memory_space<hbm>>) dst(%arg11 : memref<160x128xi32, #tpu.memory_space<vmem>>)
      tpu.yield
    }) : () -> ()
    %mul3A = arith.constant 632 : i32
    %mul3A_0 = arith.muli %arg1, %mul3A : i32
    %add3A = arith.constant 0 : i32
    %add3A_1 = arith.addi %mul3A_0, %add3A : i32
    "tpu.region"() ({
      %run_scoped3A = tpu.sem_alloc : memref<!tpu.dma_semaphore, #tpu.memory_space<semaphore_mem>>
      %dma_start3A_69 = arith.constant 0 : i32
      %dma_start3A_70 = tpu.memref_slice %arg16[%add3A_1, %dma_start3A_69] : memref<10112x64xf32, #tpu.memory_space<vmem_shared>> -> memref<128x64xf32, #tpu.memory_space<vmem_shared>>
      tpu.enqueue_dma source(%arg5 : memref<128x64xf32, #tpu.memory_space<hbm>>) target(%dma_start3A_70 : memref<128x64xf32, #tpu.memory_space<vmem_shared>>) target_semaphore(%run_scoped3A : memref<!tpu.dma_semaphore, #tpu.memory_space<semaphore_mem>>)
      %dma_wait3A_71 = arith.constant 0 : i32
      %dma_wait3A_72 = tpu.memref_slice %arg16[%add3A_1, %dma_wait3A_71] : memref<10112x64xf32, #tpu.memory_space<vmem_shared>> -> memref<128x64xf32, #tpu.memory_space<vmem_shared>>
      tpu.wait_dma2 semaphore(%run_scoped3A : memref<!tpu.dma_semaphore, #tpu.memory_space<semaphore_mem>>) src(%arg5 : memref<128x64xf32, #tpu.memory_space<hbm>>) dst(%dma_wait3A_72 : memref<128x64xf32, #tpu.memory_space<vmem_shared>>)
      tpu.yield
    }) : () -> ()
    %add3A_2 = arith.constant 128 : i32
    %add3A_3 = arith.addi %mul3A_0, %add3A_2 : i32
    "tpu.region"() ({
      %run_scoped3A = tpu.sem_alloc : memref<!tpu.dma_semaphore, #tpu.memory_space<semaphore_mem>>
      %dma_start3A_69 = arith.constant 0 : i32
      %dma_start3A_70 = tpu.memref_slice %arg16[%add3A_3, %dma_start3A_69] : memref<10112x64xf32, #tpu.memory_space<vmem_shared>> -> memref<128x64xf32, #tpu.memory_space<vmem_shared>>
      tpu.enqueue_dma source(%arg5 : memref<128x64xf32, #tpu.memory_space<hbm>>) target(%dma_start3A_70 : memref<128x64xf32, #tpu.memory_space<vmem_shared>>) target_semaphore(%run_scoped3A : memref<!tpu.dma_semaphore, #tpu.memory_space<semaphore_mem>>)
      %dma_wait3A_71 = arith.constant 0 : i32
      %dma_wait3A_72 = tpu.memref_slice %arg16[%add3A_3, %dma_wait3A_71] : memref<10112x64xf32, #tpu.memory_space<vmem_shared>> -> memref<128x64xf32, #tpu.memory_space<vmem_shared>>
      tpu.wait_dma2 semaphore(%run_scoped3A : memref<!tpu.dma_semaphore, #tpu.memory_space<semaphore_mem>>) src(%arg5 : memref<128x64xf32, #tpu.memory_space<hbm>>) dst(%dma_wait3A_72 : memref<128x64xf32, #tpu.memory_space<vmem_shared>>)
      tpu.yield
    }) : () -> ()
    %add3A_4 = arith.constant 256 : i32
    %add3A_5 = arith.addi %mul3A_0, %add3A_4 : i32
    "tpu.region"() ({
      %run_scoped3A = tpu.sem_alloc : memref<!tpu.dma_semaphore, #tpu.memory_space<semaphore_mem>>
      %dma_start3A_69 = arith.constant 0 : i32
      %dma_start3A_70 = tpu.memref_slice %arg16[%add3A_5, %dma_start3A_69] : memref<10112x64xf32, #tpu.memory_space<vmem_shared>> -> memref<128x64xf32, #tpu.memory_space<vmem_shared>>
      tpu.enqueue_dma source(%arg5 : memref<128x64xf32, #tpu.memory_space<hbm>>) target(%dma_start3A_70 : memref<128x64xf32, #tpu.memory_space<vmem_shared>>) target_semaphore(%run_scoped3A : memref<!tpu.dma_semaphore, #tpu.memory_space<semaphore_mem>>)
      %dma_wait3A_71 = arith.constant 0 : i32
      %dma_wait3A_72 = tpu.memref_slice %arg16[%add3A_5, %dma_wait3A_71] : memref<10112x64xf32, #tpu.memory_space<vmem_shared>> -> memref<128x64xf32, #tpu.memory_space<vmem_shared>>
      tpu.wait_dma2 semaphore(%run_scoped3A : memref<!tpu.dma_semaphore, #tpu.memory_space<semaphore_mem>>) src(%arg5 : memref<128x64xf32, #tpu.memory_space<hbm>>) dst(%dma_wait3A_72 : memref<128x64xf32, #tpu.memory_space<vmem_shared>>)
      tpu.yield
    }) : () -> ()
    %add3A_6 = arith.constant 384 : i32
    %add3A_7 = arith.addi %mul3A_0, %add3A_6 : i32
    "tpu.region"() ({
      %run_scoped3A = tpu.sem_alloc : memref<!tpu.dma_semaphore, #tpu.memory_space<semaphore_mem>>
      %dma_start3A_69 = arith.constant 0 : i32
      %dma_start3A_70 = tpu.memref_slice %arg16[%add3A_7, %dma_start3A_69] : memref<10112x64xf32, #tpu.memory_space<vmem_shared>> -> memref<128x64xf32, #tpu.memory_space<vmem_shared>>
      tpu.enqueue_dma source(%arg5 : memref<128x64xf32, #tpu.memory_space<hbm>>) target(%dma_start3A_70 : memref<128x64xf32, #tpu.memory_space<vmem_shared>>) target_semaphore(%run_scoped3A : memref<!tpu.dma_semaphore, #tpu.memory_space<semaphore_mem>>)
      %dma_wait3A_71 = arith.constant 0 : i32
      %dma_wait3A_72 = tpu.memref_slice %arg16[%add3A_7, %dma_wait3A_71] : memref<10112x64xf32, #tpu.memory_space<vmem_shared>> -> memref<128x64xf32, #tpu.memory_space<vmem_shared>>
      tpu.wait_dma2 semaphore(%run_scoped3A : memref<!tpu.dma_semaphore, #tpu.memory_space<semaphore_mem>>) src(%arg5 : memref<128x64xf32, #tpu.memory_space<hbm>>) dst(%dma_wait3A_72 : memref<128x64xf32, #tpu.memory_space<vmem_shared>>)
      tpu.yield
    }) : () -> ()
    %add3A_8 = arith.constant 512 : i32
    %add3A_9 = arith.addi %mul3A_0, %add3A_8 : i32
    "tpu.region"() ({
      %run_scoped3A = tpu.sem_alloc : memref<!tpu.dma_semaphore, #tpu.memory_space<semaphore_mem>>
      %dma_start3A_69 = arith.constant 0 : i32
      %dma_start3A_70 = tpu.memref_slice %arg16[%add3A_9, %dma_start3A_69] : memref<10112x64xf32, #tpu.memory_space<vmem_shared>> -> memref<120x64xf32, #tpu.memory_space<vmem_shared>>
      %dma_start3A_71 = arith.constant 0 : i32
      %dma_start3A_72 = arith.constant 0 : i32
      %dma_start3A_73 = tpu.memref_slice %arg5[%dma_start3A_71, %dma_start3A_72] : memref<128x64xf32, #tpu.memory_space<hbm>> -> memref<120x64xf32, #tpu.memory_space<hbm>>
      tpu.enqueue_dma source(%dma_start3A_73 : memref<120x64xf32, #tpu.memory_space<hbm>>) target(%dma_start3A_70 : memref<120x64xf32, #tpu.memory_space<vmem_shared>>) target_semaphore(%run_scoped3A : memref<!tpu.dma_semaphore, #tpu.memory_space<semaphore_mem>>)
      %dma_wait3A_74 = arith.constant 0 : i32
      %dma_wait3A_75 = tpu.memref_slice %arg16[%add3A_9, %dma_wait3A_74] : memref<10112x64xf32, #tpu.memory_space<vmem_shared>> -> memref<120x64xf32, #tpu.memory_space<vmem_shared>>
      %dma_wait3A_76 = arith.constant 0 : i32
      %dma_wait3A_77 = arith.constant 0 : i32
      %dma_wait3A_78 = tpu.memref_slice %arg5[%dma_wait3A_76, %dma_wait3A_77] : memref<128x64xf32, #tpu.memory_space<hbm>> -> memref<120x64xf32, #tpu.memory_space<hbm>>
      tpu.wait_dma2 semaphore(%run_scoped3A : memref<!tpu.dma_semaphore, #tpu.memory_space<semaphore_mem>>) src(%dma_wait3A_78 : memref<120x64xf32, #tpu.memory_space<hbm>>) dst(%dma_wait3A_75 : memref<120x64xf32, #tpu.memory_space<vmem_shared>>)
      tpu.yield
    }) : () -> ()
    "tpu.region"() ({
      %run_scoped3A = tpu.sem_alloc : memref<!tpu.dma_semaphore, #tpu.memory_space<semaphore_mem>>
      %dma_start3A_69 = arith.constant 0 : i32
      %dma_start3A_70 = tpu.memref_slice %arg26[%mul3A_0, %dma_start3A_69] : memref<10112x16xf32, #tpu.memory_space<vmem_shared>> -> memref<632x16xf32, #tpu.memory_space<vmem_shared>>
      tpu.enqueue_dma source(%arg6 : memref<632x16xf32, #tpu.memory_space<hbm>>) target(%dma_start3A_70 : memref<632x16xf32, #tpu.memory_space<vmem_shared>>) target_semaphore(%run_scoped3A : memref<!tpu.dma_semaphore, #tpu.memory_space<semaphore_mem>>)
      %dma_wait3A_71 = arith.constant 0 : i32
      %dma_wait3A_72 = tpu.memref_slice %arg26[%mul3A_0, %dma_wait3A_71] : memref<10112x16xf32, #tpu.memory_space<vmem_shared>> -> memref<632x16xf32, #tpu.memory_space<vmem_shared>>
      tpu.wait_dma2 semaphore(%run_scoped3A : memref<!tpu.dma_semaphore, #tpu.memory_space<semaphore_mem>>) src(%arg6 : memref<632x16xf32, #tpu.memory_space<hbm>>) dst(%dma_wait3A_72 : memref<632x16xf32, #tpu.memory_space<vmem_shared>>)
      tpu.yield
    }) : () -> ()
    "tpu.region"() ({
      %run_scoped3A = tpu.sem_alloc : memref<!tpu.dma_semaphore, #tpu.memory_space<semaphore_mem>>
      tpu.enqueue_dma source(%arg7 : memref<128x16xf32, #tpu.memory_space<hbm>>) target(%arg25 : memref<128x16xf32, #tpu.memory_space<vmem>>) target_semaphore(%run_scoped3A : memref<!tpu.dma_semaphore, #tpu.memory_space<semaphore_mem>>)
      tpu.wait_dma2 semaphore(%run_scoped3A : memref<!tpu.dma_semaphore, #tpu.memory_space<semaphore_mem>>) src(%arg7 : memref<128x16xf32, #tpu.memory_space<hbm>>) dst(%arg25 : memref<128x16xf32, #tpu.memory_space<vmem>>)
      tpu.yield
    }) : () -> ()
    %barrier3A = arith.constant 0 : index
    tpu.barrier barrier_id(%barrier3A)
    %dma_start3A = arith.constant 0 : i32
    %dma_start3A_10 = arith.constant 0 : i32
    %dma_start3A_11 = tpu.memref_slice %arg10[%dma_start3A, %dma_start3A_10] : memref<160x128xi32, #tpu.memory_space<vmem>> -> memref<1x128xi32, #tpu.memory_space<vmem>>
    %dma_start3A_12 = tpu.memref_squeeze %dma_start3A_11 : memref<1x128xi32, #tpu.memory_space<vmem>> -> memref<128xi32, #tpu.memory_space<vmem>>
    %dma_start3A_13 = arith.constant 0 : i32
    %dma_start3A_14 = arith.constant 0 : i32
    %dma_start3A_15 = tpu.memref_slice %arg2[%dma_start3A_13, %dma_start3A_14] : memref<20000x64xf32, #tpu.memory_space<hbm>> -> memref<20000x64xf32, #tpu.memory_space<hbm>>
    tpu.enqueue_indirect_dma source(%dma_start3A_15 : memref<20000x64xf32, #tpu.memory_space<hbm>>) target(%arg12 : memref<128x64xf32, #tpu.memory_space<vmem>>) offsets(%dma_start3A_12 : memref<128xi32, #tpu.memory_space<vmem>>) semaphore(%arg17 : memref<!tpu.dma_semaphore, #tpu.memory_space<semaphore_mem>>)
    %dma_start3A_16 = arith.constant 1 : i32
    %dma_start3A_17 = arith.constant 0 : i32
    %dma_start3A_18 = tpu.memref_slice %arg10[%dma_start3A_16, %dma_start3A_17] : memref<160x128xi32, #tpu.memory_space<vmem>> -> memref<1x128xi32, #tpu.memory_space<vmem>>
    %dma_start3A_19 = tpu.memref_squeeze %dma_start3A_18 : memref<1x128xi32, #tpu.memory_space<vmem>> -> memref<128xi32, #tpu.memory_space<vmem>>
    %dma_start3A_20 = arith.constant 0 : i32
    %dma_start3A_21 = arith.constant 0 : i32
    %dma_start3A_22 = tpu.memref_slice %arg2[%dma_start3A_20, %dma_start3A_21] : memref<20000x64xf32, #tpu.memory_space<hbm>> -> memref<20000x64xf32, #tpu.memory_space<hbm>>
    tpu.enqueue_indirect_dma source(%dma_start3A_22 : memref<20000x64xf32, #tpu.memory_space<hbm>>) target(%arg13 : memref<128x64xf32, #tpu.memory_space<vmem>>) offsets(%dma_start3A_19 : memref<128xi32, #tpu.memory_space<vmem>>) semaphore(%arg18 : memref<!tpu.dma_semaphore, #tpu.memory_space<semaphore_mem>>)
    %dma_start3A_23 = arith.constant 2 : i32
    %dma_start3A_24 = arith.constant 0 : i32
    %dma_start3A_25 = tpu.memref_slice %arg10[%dma_start3A_23, %dma_start3A_24] : memref<160x128xi32, #tpu.memory_space<vmem>> -> memref<1x128xi32, #tpu.memory_space<vmem>>
    %dma_start3A_26 = tpu.memref_squeeze %dma_start3A_25 : memref<1x128xi32, #tpu.memory_space<vmem>> -> memref<128xi32, #tpu.memory_space<vmem>>
    %dma_start3A_27 = arith.constant 0 : i32
    %dma_start3A_28 = arith.constant 0 : i32
    %dma_start3A_29 = tpu.memref_slice %arg2[%dma_start3A_27, %dma_start3A_28] : memref<20000x64xf32, #tpu.memory_space<hbm>> -> memref<20000x64xf32, #tpu.memory_space<hbm>>
    tpu.enqueue_indirect_dma source(%dma_start3A_29 : memref<20000x64xf32, #tpu.memory_space<hbm>>) target(%arg14 : memref<128x64xf32, #tpu.memory_space<vmem>>) offsets(%dma_start3A_26 : memref<128xi32, #tpu.memory_space<vmem>>) semaphore(%arg19 : memref<!tpu.dma_semaphore, #tpu.memory_space<semaphore_mem>>)
    %dma_start3A_30 = arith.constant 3 : i32
    %dma_start3A_31 = arith.constant 0 : i32
    %dma_start3A_32 = tpu.memref_slice %arg10[%dma_start3A_30, %dma_start3A_31] : memref<160x128xi32, #tpu.memory_space<vmem>> -> memref<1x128xi32, #tpu.memory_space<vmem>>
    %dma_start3A_33 = tpu.memref_squeeze %dma_start3A_32 : memref<1x128xi32, #tpu.memory_space<vmem>> -> memref<128xi32, #tpu.memory_space<vmem>>
    %dma_start3A_34 = arith.constant 0 : i32
    %dma_start3A_35 = arith.constant 0 : i32
    %dma_start3A_36 = tpu.memref_slice %arg2[%dma_start3A_34, %dma_start3A_35] : memref<20000x64xf32, #tpu.memory_space<hbm>> -> memref<20000x64xf32, #tpu.memory_space<hbm>>
    tpu.enqueue_indirect_dma source(%dma_start3A_36 : memref<20000x64xf32, #tpu.memory_space<hbm>>) target(%arg15 : memref<128x64xf32, #tpu.memory_space<vmem>>) offsets(%dma_start3A_33 : memref<128xi32, #tpu.memory_space<vmem>>) semaphore(%arg20 : memref<!tpu.dma_semaphore, #tpu.memory_space<semaphore_mem>>)
    %scan3A = arith.constant 0 : i32
    %scan3A_37 = arith.constant 40 : i32
    %scan3A_38 = arith.addi %scan3A, %scan3A_37 : i32
    %scan3A_39 = arith.constant 1 : i32
    scf.for %scan3A_69 = %scan3A to %scan3A_38 step %scan3A_39  : i32 {
      %mul3A_70 = arith.constant 1 : i32
      %mul3A_71 = arith.muli %scan3A_69, %mul3A_70 : i32
      %add3A_72 = arith.constant 0 : i32
      %add3A_73 = arith.addi %add3A_72, %mul3A_71 : i32
      %mul3A_74 = arith.constant 4 : i32
      %mul3A_75 = arith.muli %add3A_73, %mul3A_74 : i32
      %add3A_76 = arith.constant 0 : i32
      %add3A_77 = arith.addi %mul3A_75, %add3A_76 : i32
      %dma_wait3A_78 = arith.constant 0 : i32
      %dma_wait3A_79 = tpu.memref_slice %arg10[%add3A_77, %dma_wait3A_78] : memref<160x128xi32, #tpu.memory_space<vmem>> -> memref<1x128xi32, #tpu.memory_space<vmem>>
      %dma_wait3A_80 = tpu.memref_squeeze %dma_wait3A_79 : memref<1x128xi32, #tpu.memory_space<vmem>> -> memref<128xi32, #tpu.memory_space<vmem>>
      %dma_wait3A_81 = arith.constant 0 : i32
      %dma_wait3A_82 = arith.constant 0 : i32
      %dma_wait3A_83 = tpu.memref_slice %arg2[%dma_wait3A_81, %dma_wait3A_82] : memref<20000x64xf32, #tpu.memory_space<hbm>> -> memref<20000x64xf32, #tpu.memory_space<hbm>>
      tpu.wait_indirect_dma semaphore(%arg17 : memref<!tpu.dma_semaphore, #tpu.memory_space<semaphore_mem>>) src(%dma_wait3A_83 : memref<20000x64xf32, #tpu.memory_space<hbm>>) dst(%arg12 : memref<128x64xf32, #tpu.memory_space<vmem>>)
      %dma_start3A_84 = arith.constant 0 : i32
      %dma_start3A_85 = tpu.memref_slice %arg11[%add3A_77, %dma_start3A_84] : memref<160x128xi32, #tpu.memory_space<vmem>> -> memref<1x128xi32, #tpu.memory_space<vmem>>
      %dma_start3A_86 = tpu.memref_squeeze %dma_start3A_85 : memref<1x128xi32, #tpu.memory_space<vmem>> -> memref<128xi32, #tpu.memory_space<vmem>>
      %dma_start3A_87 = arith.constant 0 : i32
      %dma_start3A_88 = arith.constant 0 : i32
      %dma_start3A_89 = tpu.memref_slice %arg16[%dma_start3A_87, %dma_start3A_88] : memref<10112x64xf32, #tpu.memory_space<vmem_shared>> -> memref<10112x64xf32, #tpu.memory_space<vmem_shared>>
      tpu.enqueue_indirect_dma source(%arg12 : memref<128x64xf32, #tpu.memory_space<vmem>>) target(%dma_start3A_89 : memref<10112x64xf32, #tpu.memory_space<vmem_shared>>) offsets(%dma_start3A_86 : memref<128xi32, #tpu.memory_space<vmem>>) semaphore(%arg21 : memref<!tpu.dma_semaphore, #tpu.memory_space<semaphore_mem>>) {add = true}
      %eq3A = arith.constant 0 : i32
      %eq3A_90 = arith.cmpi eq, %arg0, %eq3A : i32
      %convert_element_type3A = arith.extui %eq3A_90 : i1 to i32
      %cond3A = arith.constant 0 : i32
      %cond3A_91 = arith.cmpi ne, %convert_element_type3A, %cond3A : i32
      scf.if %cond3A_91 {
        "tpu.region"() ({
          %run_scoped3A = tpu.sem_alloc : memref<!tpu.dma_semaphore, #tpu.memory_space<semaphore_mem>>
          %dma_start3A_184 = arith.constant 0 : i32
          %dma_start3A_185 = tpu.memref_slice %arg11[%add3A_77, %dma_start3A_184] : memref<160x128xi32, #tpu.memory_space<vmem>> -> memref<1x128xi32, #tpu.memory_space<vmem>>
          %dma_start3A_186 = tpu.memref_squeeze %dma_start3A_185 : memref<1x128xi32, #tpu.memory_space<vmem>> -> memref<128xi32, #tpu.memory_space<vmem>>
          %dma_start3A_187 = arith.constant 0 : i32
          %dma_start3A_188 = arith.constant 0 : i32
          %dma_start3A_189 = tpu.memref_slice %arg26[%dma_start3A_187, %dma_start3A_188] : memref<10112x16xf32, #tpu.memory_space<vmem_shared>> -> memref<10112x16xf32, #tpu.memory_space<vmem_shared>>
          tpu.enqueue_indirect_dma source(%arg25 : memref<128x16xf32, #tpu.memory_space<vmem>>) target(%dma_start3A_189 : memref<10112x16xf32, #tpu.memory_space<vmem_shared>>) offsets(%dma_start3A_186 : memref<128xi32, #tpu.memory_space<vmem>>) semaphore(%run_scoped3A : memref<!tpu.dma_semaphore, #tpu.memory_space<semaphore_mem>>) {add = true}
          %dma_wait3A_190 = arith.constant 0 : i32
          %dma_wait3A_191 = tpu.memref_slice %arg11[%add3A_77, %dma_wait3A_190] : memref<160x128xi32, #tpu.memory_space<vmem>> -> memref<1x128xi32, #tpu.memory_space<vmem>>
          %dma_wait3A_192 = tpu.memref_squeeze %dma_wait3A_191 : memref<1x128xi32, #tpu.memory_space<vmem>> -> memref<128xi32, #tpu.memory_space<vmem>>
          %dma_wait3A_193 = arith.constant 0 : i32
          %dma_wait3A_194 = arith.constant 0 : i32
          %dma_wait3A_195 = tpu.memref_slice %arg26[%dma_wait3A_193, %dma_wait3A_194] : memref<10112x16xf32, #tpu.memory_space<vmem_shared>> -> memref<10112x16xf32, #tpu.memory_space<vmem_shared>>
          tpu.wait_indirect_dma semaphore(%run_scoped3A : memref<!tpu.dma_semaphore, #tpu.memory_space<semaphore_mem>>) src(%arg25 : memref<128x16xf32, #tpu.memory_space<vmem>>) dst(%dma_wait3A_195 : memref<10112x16xf32, #tpu.memory_space<vmem_shared>>)
          tpu.yield
        }) : () -> ()
      } else {
      }
      %add3A_92 = arith.constant 1 : i32
      %add3A_93 = arith.addi %mul3A_75, %add3A_92 : i32
      %dma_wait3A_94 = arith.constant 0 : i32
      %dma_wait3A_95 = tpu.memref_slice %arg10[%add3A_93, %dma_wait3A_94] : memref<160x128xi32, #tpu.memory_space<vmem>> -> memref<1x128xi32, #tpu.memory_space<vmem>>
      %dma_wait3A_96 = tpu.memref_squeeze %dma_wait3A_95 : memref<1x128xi32, #tpu.memory_space<vmem>> -> memref<128xi32, #tpu.memory_space<vmem>>
      %dma_wait3A_97 = arith.constant 0 : i32
      %dma_wait3A_98 = arith.constant 0 : i32
      %dma_wait3A_99 = tpu.memref_slice %arg2[%dma_wait3A_97, %dma_wait3A_98] : memref<20000x64xf32, #tpu.memory_space<hbm>> -> memref<20000x64xf32, #tpu.memory_space<hbm>>
      tpu.wait_indirect_dma semaphore(%arg18 : memref<!tpu.dma_semaphore, #tpu.memory_space<semaphore_mem>>) src(%dma_wait3A_99 : memref<20000x64xf32, #tpu.memory_space<hbm>>) dst(%arg13 : memref<128x64xf32, #tpu.memory_space<vmem>>)
      %dma_start3A_100 = arith.constant 0 : i32
      %dma_start3A_101 = tpu.memref_slice %arg11[%add3A_93, %dma_start3A_100] : memref<160x128xi32, #tpu.memory_space<vmem>> -> memref<1x128xi32, #tpu.memory_space<vmem>>
      %dma_start3A_102 = tpu.memref_squeeze %dma_start3A_101 : memref<1x128xi32, #tpu.memory_space<vmem>> -> memref<128xi32, #tpu.memory_space<vmem>>
      %dma_start3A_103 = arith.constant 0 : i32
      %dma_start3A_104 = arith.constant 0 : i32
      %dma_start3A_105 = tpu.memref_slice %arg16[%dma_start3A_103, %dma_start3A_104] : memref<10112x64xf32, #tpu.memory_space<vmem_shared>> -> memref<10112x64xf32, #tpu.memory_space<vmem_shared>>
      tpu.enqueue_indirect_dma source(%arg13 : memref<128x64xf32, #tpu.memory_space<vmem>>) target(%dma_start3A_105 : memref<10112x64xf32, #tpu.memory_space<vmem_shared>>) offsets(%dma_start3A_102 : memref<128xi32, #tpu.memory_space<vmem>>) semaphore(%arg22 : memref<!tpu.dma_semaphore, #tpu.memory_space<semaphore_mem>>) {add = true}
      %eq3A_106 = arith.constant 1 : i32
      %eq3A_107 = arith.cmpi eq, %arg0, %eq3A_106 : i32
      %convert_element_type3A_108 = arith.extui %eq3A_107 : i1 to i32
      %cond3A_109 = arith.constant 0 : i32
      %cond3A_110 = arith.cmpi ne, %convert_element_type3A_108, %cond3A_109 : i32
      scf.if %cond3A_110 {
        "tpu.region"() ({
          %run_scoped3A = tpu.sem_alloc : memref<!tpu.dma_semaphore, #tpu.memory_space<semaphore_mem>>
          %dma_start3A_184 = arith.constant 0 : i32
          %dma_start3A_185 = tpu.memref_slice %arg11[%add3A_93, %dma_start3A_184] : memref<160x128xi32, #tpu.memory_space<vmem>> -> memref<1x128xi32, #tpu.memory_space<vmem>>
          %dma_start3A_186 = tpu.memref_squeeze %dma_start3A_185 : memref<1x128xi32, #tpu.memory_space<vmem>> -> memref<128xi32, #tpu.memory_space<vmem>>
          %dma_start3A_187 = arith.constant 0 : i32
          %dma_start3A_188 = arith.constant 0 : i32
          %dma_start3A_189 = tpu.memref_slice %arg26[%dma_start3A_187, %dma_start3A_188] : memref<10112x16xf32, #tpu.memory_space<vmem_shared>> -> memref<10112x16xf32, #tpu.memory_space<vmem_shared>>
          tpu.enqueue_indirect_dma source(%arg25 : memref<128x16xf32, #tpu.memory_space<vmem>>) target(%dma_start3A_189 : memref<10112x16xf32, #tpu.memory_space<vmem_shared>>) offsets(%dma_start3A_186 : memref<128xi32, #tpu.memory_space<vmem>>) semaphore(%run_scoped3A : memref<!tpu.dma_semaphore, #tpu.memory_space<semaphore_mem>>) {add = true}
          %dma_wait3A_190 = arith.constant 0 : i32
          %dma_wait3A_191 = tpu.memref_slice %arg11[%add3A_93, %dma_wait3A_190] : memref<160x128xi32, #tpu.memory_space<vmem>> -> memref<1x128xi32, #tpu.memory_space<vmem>>
          %dma_wait3A_192 = tpu.memref_squeeze %dma_wait3A_191 : memref<1x128xi32, #tpu.memory_space<vmem>> -> memref<128xi32, #tpu.memory_space<vmem>>
          %dma_wait3A_193 = arith.constant 0 : i32
          %dma_wait3A_194 = arith.constant 0 : i32
          %dma_wait3A_195 = tpu.memref_slice %arg26[%dma_wait3A_193, %dma_wait3A_194] : memref<10112x16xf32, #tpu.memory_space<vmem_shared>> -> memref<10112x16xf32, #tpu.memory_space<vmem_shared>>
          tpu.wait_indirect_dma semaphore(%run_scoped3A : memref<!tpu.dma_semaphore, #tpu.memory_space<semaphore_mem>>) src(%arg25 : memref<128x16xf32, #tpu.memory_space<vmem>>) dst(%dma_wait3A_195 : memref<10112x16xf32, #tpu.memory_space<vmem_shared>>)
          tpu.yield
        }) : () -> ()
      } else {
      }
      %add3A_111 = arith.constant 2 : i32
      %add3A_112 = arith.addi %mul3A_75, %add3A_111 : i32
      %dma_wait3A_113 = arith.constant 0 : i32
      %dma_wait3A_114 = tpu.memref_slice %arg10[%add3A_112, %dma_wait3A_113] : memref<160x128xi32, #tpu.memory_space<vmem>> -> memref<1x128xi32, #tpu.memory_space<vmem>>
      %dma_wait3A_115 = tpu.memref_squeeze %dma_wait3A_114 : memref<1x128xi32, #tpu.memory_space<vmem>> -> memref<128xi32, #tpu.memory_space<vmem>>
      %dma_wait3A_116 = arith.constant 0 : i32
      %dma_wait3A_117 = arith.constant 0 : i32
      %dma_wait3A_118 = tpu.memref_slice %arg2[%dma_wait3A_116, %dma_wait3A_117] : memref<20000x64xf32, #tpu.memory_space<hbm>> -> memref<20000x64xf32, #tpu.memory_space<hbm>>
      tpu.wait_indirect_dma semaphore(%arg19 : memref<!tpu.dma_semaphore, #tpu.memory_space<semaphore_mem>>) src(%dma_wait3A_118 : memref<20000x64xf32, #tpu.memory_space<hbm>>) dst(%arg14 : memref<128x64xf32, #tpu.memory_space<vmem>>)
      %dma_start3A_119 = arith.constant 0 : i32
      %dma_start3A_120 = tpu.memref_slice %arg11[%add3A_112, %dma_start3A_119] : memref<160x128xi32, #tpu.memory_space<vmem>> -> memref<1x128xi32, #tpu.memory_space<vmem>>
      %dma_start3A_121 = tpu.memref_squeeze %dma_start3A_120 : memref<1x128xi32, #tpu.memory_space<vmem>> -> memref<128xi32, #tpu.memory_space<vmem>>
      %dma_start3A_122 = arith.constant 0 : i32
      %dma_start3A_123 = arith.constant 0 : i32
      %dma_start3A_124 = tpu.memref_slice %arg16[%dma_start3A_122, %dma_start3A_123] : memref<10112x64xf32, #tpu.memory_space<vmem_shared>> -> memref<10112x64xf32, #tpu.memory_space<vmem_shared>>
      tpu.enqueue_indirect_dma source(%arg14 : memref<128x64xf32, #tpu.memory_space<vmem>>) target(%dma_start3A_124 : memref<10112x64xf32, #tpu.memory_space<vmem_shared>>) offsets(%dma_start3A_121 : memref<128xi32, #tpu.memory_space<vmem>>) semaphore(%arg23 : memref<!tpu.dma_semaphore, #tpu.memory_space<semaphore_mem>>) {add = true}
      %eq3A_125 = arith.constant 0 : i32
      %eq3A_126 = arith.cmpi eq, %arg0, %eq3A_125 : i32
      %convert_element_type3A_127 = arith.extui %eq3A_126 : i1 to i32
      %cond3A_128 = arith.constant 0 : i32
      %cond3A_129 = arith.cmpi ne, %convert_element_type3A_127, %cond3A_128 : i32
      scf.if %cond3A_129 {
        "tpu.region"() ({
          %run_scoped3A = tpu.sem_alloc : memref<!tpu.dma_semaphore, #tpu.memory_space<semaphore_mem>>
          %dma_start3A_184 = arith.constant 0 : i32
          %dma_start3A_185 = tpu.memref_slice %arg11[%add3A_112, %dma_start3A_184] : memref<160x128xi32, #tpu.memory_space<vmem>> -> memref<1x128xi32, #tpu.memory_space<vmem>>
          %dma_start3A_186 = tpu.memref_squeeze %dma_start3A_185 : memref<1x128xi32, #tpu.memory_space<vmem>> -> memref<128xi32, #tpu.memory_space<vmem>>
          %dma_start3A_187 = arith.constant 0 : i32
          %dma_start3A_188 = arith.constant 0 : i32
          %dma_start3A_189 = tpu.memref_slice %arg26[%dma_start3A_187, %dma_start3A_188] : memref<10112x16xf32, #tpu.memory_space<vmem_shared>> -> memref<10112x16xf32, #tpu.memory_space<vmem_shared>>
          tpu.enqueue_indirect_dma source(%arg25 : memref<128x16xf32, #tpu.memory_space<vmem>>) target(%dma_start3A_189 : memref<10112x16xf32, #tpu.memory_space<vmem_shared>>) offsets(%dma_start3A_186 : memref<128xi32, #tpu.memory_space<vmem>>) semaphore(%run_scoped3A : memref<!tpu.dma_semaphore, #tpu.memory_space<semaphore_mem>>) {add = true}
          %dma_wait3A_190 = arith.constant 0 : i32
          %dma_wait3A_191 = tpu.memref_slice %arg11[%add3A_112, %dma_wait3A_190] : memref<160x128xi32, #tpu.memory_space<vmem>> -> memref<1x128xi32, #tpu.memory_space<vmem>>
          %dma_wait3A_192 = tpu.memref_squeeze %dma_wait3A_191 : memref<1x128xi32, #tpu.memory_space<vmem>> -> memref<128xi32, #tpu.memory_space<vmem>>
          %dma_wait3A_193 = arith.constant 0 : i32
          %dma_wait3A_194 = arith.constant 0 : i32
          %dma_wait3A_195 = tpu.memref_slice %arg26[%dma_wait3A_193, %dma_wait3A_194] : memref<10112x16xf32, #tpu.memory_space<vmem_shared>> -> memref<10112x16xf32, #tpu.memory_space<vmem_shared>>
          tpu.wait_indirect_dma semaphore(%run_scoped3A : memref<!tpu.dma_semaphore, #tpu.memory_space<semaphore_mem>>) src(%arg25 : memref<128x16xf32, #tpu.memory_space<vmem>>) dst(%dma_wait3A_195 : memref<10112x16xf32, #tpu.memory_space<vmem_shared>>)
          tpu.yield
        }) : () -> ()
      } else {
      }
      %add3A_130 = arith.constant 3 : i32
      %add3A_131 = arith.addi %mul3A_75, %add3A_130 : i32
      %dma_wait3A_132 = arith.constant 0 : i32
      %dma_wait3A_133 = tpu.memref_slice %arg10[%add3A_131, %dma_wait3A_132] : memref<160x128xi32, #tpu.memory_space<vmem>> -> memref<1x128xi32, #tpu.memory_space<vmem>>
      %dma_wait3A_134 = tpu.memref_squeeze %dma_wait3A_133 : memref<1x128xi32, #tpu.memory_space<vmem>> -> memref<128xi32, #tpu.memory_space<vmem>>
      %dma_wait3A_135 = arith.constant 0 : i32
      %dma_wait3A_136 = arith.constant 0 : i32
      %dma_wait3A_137 = tpu.memref_slice %arg2[%dma_wait3A_135, %dma_wait3A_136] : memref<20000x64xf32, #tpu.memory_space<hbm>> -> memref<20000x64xf32, #tpu.memory_space<hbm>>
      tpu.wait_indirect_dma semaphore(%arg20 : memref<!tpu.dma_semaphore, #tpu.memory_space<semaphore_mem>>) src(%dma_wait3A_137 : memref<20000x64xf32, #tpu.memory_space<hbm>>) dst(%arg15 : memref<128x64xf32, #tpu.memory_space<vmem>>)
      %dma_start3A_138 = arith.constant 0 : i32
      %dma_start3A_139 = tpu.memref_slice %arg11[%add3A_131, %dma_start3A_138] : memref<160x128xi32, #tpu.memory_space<vmem>> -> memref<1x128xi32, #tpu.memory_space<vmem>>
      %dma_start3A_140 = tpu.memref_squeeze %dma_start3A_139 : memref<1x128xi32, #tpu.memory_space<vmem>> -> memref<128xi32, #tpu.memory_space<vmem>>
      %dma_start3A_141 = arith.constant 0 : i32
      %dma_start3A_142 = arith.constant 0 : i32
      %dma_start3A_143 = tpu.memref_slice %arg16[%dma_start3A_141, %dma_start3A_142] : memref<10112x64xf32, #tpu.memory_space<vmem_shared>> -> memref<10112x64xf32, #tpu.memory_space<vmem_shared>>
      tpu.enqueue_indirect_dma source(%arg15 : memref<128x64xf32, #tpu.memory_space<vmem>>) target(%dma_start3A_143 : memref<10112x64xf32, #tpu.memory_space<vmem_shared>>) offsets(%dma_start3A_140 : memref<128xi32, #tpu.memory_space<vmem>>) semaphore(%arg24 : memref<!tpu.dma_semaphore, #tpu.memory_space<semaphore_mem>>) {add = true}
      %eq3A_144 = arith.constant 1 : i32
      %eq3A_145 = arith.cmpi eq, %arg0, %eq3A_144 : i32
      %convert_element_type3A_146 = arith.extui %eq3A_145 : i1 to i32
      %cond3A_147 = arith.constant 0 : i32
      %cond3A_148 = arith.cmpi ne, %convert_element_type3A_146, %cond3A_147 : i32
      scf.if %cond3A_148 {
        "tpu.region"() ({
          %run_scoped3A = tpu.sem_alloc : memref<!tpu.dma_semaphore, #tpu.memory_space<semaphore_mem>>
          %dma_start3A_184 = arith.constant 0 : i32
          %dma_start3A_185 = tpu.memref_slice %arg11[%add3A_131, %dma_start3A_184] : memref<160x128xi32, #tpu.memory_space<vmem>> -> memref<1x128xi32, #tpu.memory_space<vmem>>
          %dma_start3A_186 = tpu.memref_squeeze %dma_start3A_185 : memref<1x128xi32, #tpu.memory_space<vmem>> -> memref<128xi32, #tpu.memory_space<vmem>>
          %dma_start3A_187 = arith.constant 0 : i32
          %dma_start3A_188 = arith.constant 0 : i32
          %dma_start3A_189 = tpu.memref_slice %arg26[%dma_start3A_187, %dma_start3A_188] : memref<10112x16xf32, #tpu.memory_space<vmem_shared>> -> memref<10112x16xf32, #tpu.memory_space<vmem_shared>>
          tpu.enqueue_indirect_dma source(%arg25 : memref<128x16xf32, #tpu.memory_space<vmem>>) target(%dma_start3A_189 : memref<10112x16xf32, #tpu.memory_space<vmem_shared>>) offsets(%dma_start3A_186 : memref<128xi32, #tpu.memory_space<vmem>>) semaphore(%run_scoped3A : memref<!tpu.dma_semaphore, #tpu.memory_space<semaphore_mem>>) {add = true}
          %dma_wait3A_190 = arith.constant 0 : i32
          %dma_wait3A_191 = tpu.memref_slice %arg11[%add3A_131, %dma_wait3A_190] : memref<160x128xi32, #tpu.memory_space<vmem>> -> memref<1x128xi32, #tpu.memory_space<vmem>>
          %dma_wait3A_192 = tpu.memref_squeeze %dma_wait3A_191 : memref<1x128xi32, #tpu.memory_space<vmem>> -> memref<128xi32, #tpu.memory_space<vmem>>
          %dma_wait3A_193 = arith.constant 0 : i32
          %dma_wait3A_194 = arith.constant 0 : i32
          %dma_wait3A_195 = tpu.memref_slice %arg26[%dma_wait3A_193, %dma_wait3A_194] : memref<10112x16xf32, #tpu.memory_space<vmem_shared>> -> memref<10112x16xf32, #tpu.memory_space<vmem_shared>>
          tpu.wait_indirect_dma semaphore(%run_scoped3A : memref<!tpu.dma_semaphore, #tpu.memory_space<semaphore_mem>>) src(%arg25 : memref<128x16xf32, #tpu.memory_space<vmem>>) dst(%dma_wait3A_195 : memref<10112x16xf32, #tpu.memory_space<vmem_shared>>)
          tpu.yield
        }) : () -> ()
      } else {
      }
      %add3A_149 = arith.constant 0 : i32
      %add3A_150 = arith.addi %mul3A_75, %add3A_149 : i32
      %add3A_151 = arith.constant 4 : i32
      %add3A_152 = arith.addi %add3A_150, %add3A_151 : i32
      %lt3A = arith.constant 160 : i32
      %lt3A_153 = arith.cmpi slt, %add3A_152, %lt3A : i32
      %convert_element_type3A_154 = arith.extui %lt3A_153 : i1 to i32
      %cond3A_155 = arith.constant 0 : i32
      %cond3A_156 = arith.cmpi ne, %convert_element_type3A_154, %cond3A_155 : i32
      scf.if %cond3A_156 {
        %add3A_184 = arith.constant 0 : i32
        %add3A_185 = arith.addi %mul3A_75, %add3A_184 : i32
        %dma_wait3A_186 = arith.constant 0 : i32
        %dma_wait3A_187 = tpu.memref_slice %arg11[%add3A_185, %dma_wait3A_186] : memref<160x128xi32, #tpu.memory_space<vmem>> -> memref<1x128xi32, #tpu.memory_space<vmem>>
        %dma_wait3A_188 = tpu.memref_squeeze %dma_wait3A_187 : memref<1x128xi32, #tpu.memory_space<vmem>> -> memref<128xi32, #tpu.memory_space<vmem>>
        %dma_wait3A_189 = arith.constant 0 : i32
        %dma_wait3A_190 = arith.constant 0 : i32
        %dma_wait3A_191 = tpu.memref_slice %arg16[%dma_wait3A_189, %dma_wait3A_190] : memref<10112x64xf32, #tpu.memory_space<vmem_shared>> -> memref<10112x64xf32, #tpu.memory_space<vmem_shared>>
        tpu.wait_indirect_dma semaphore(%arg21 : memref<!tpu.dma_semaphore, #tpu.memory_space<semaphore_mem>>) src(%arg12 : memref<128x64xf32, #tpu.memory_space<vmem>>) dst(%dma_wait3A_191 : memref<10112x64xf32, #tpu.memory_space<vmem_shared>>)
        %dma_start3A_192 = arith.constant 0 : i32
        %dma_start3A_193 = tpu.memref_slice %arg10[%add3A_152, %dma_start3A_192] : memref<160x128xi32, #tpu.memory_space<vmem>> -> memref<1x128xi32, #tpu.memory_space<vmem>>
        %dma_start3A_194 = tpu.memref_squeeze %dma_start3A_193 : memref<1x128xi32, #tpu.memory_space<vmem>> -> memref<128xi32, #tpu.memory_space<vmem>>
        %dma_start3A_195 = arith.constant 0 : i32
        %dma_start3A_196 = arith.constant 0 : i32
        %dma_start3A_197 = tpu.memref_slice %arg2[%dma_start3A_195, %dma_start3A_196] : memref<20000x64xf32, #tpu.memory_space<hbm>> -> memref<20000x64xf32, #tpu.memory_space<hbm>>
        tpu.enqueue_indirect_dma source(%dma_start3A_197 : memref<20000x64xf32, #tpu.memory_space<hbm>>) target(%arg12 : memref<128x64xf32, #tpu.memory_space<vmem>>) offsets(%dma_start3A_194 : memref<128xi32, #tpu.memory_space<vmem>>) semaphore(%arg17 : memref<!tpu.dma_semaphore, #tpu.memory_space<semaphore_mem>>)
      } else {
      }
      %add3A_157 = arith.constant 1 : i32
      %add3A_158 = arith.addi %mul3A_75, %add3A_157 : i32
      %add3A_159 = arith.constant 4 : i32
      %add3A_160 = arith.addi %add3A_158, %add3A_159 : i32
      %lt3A_161 = arith.constant 160 : i32
      %lt3A_162 = arith.cmpi slt, %add3A_160, %lt3A_161 : i32
      %convert_element_type3A_163 = arith.extui %lt3A_162 : i1 to i32
      %cond3A_164 = arith.constant 0 : i32
      %cond3A_165 = arith.cmpi ne, %convert_element_type3A_163, %cond3A_164 : i32
      scf.if %cond3A_165 {
        %add3A_184 = arith.constant 1 : i32
        %add3A_185 = arith.addi %mul3A_75, %add3A_184 : i32
        %dma_wait3A_186 = arith.constant 0 : i32
        %dma_wait3A_187 = tpu.memref_slice %arg11[%add3A_185, %dma_wait3A_186] : memref<160x128xi32, #tpu.memory_space<vmem>> -> memref<1x128xi32, #tpu.memory_space<vmem>>
        %dma_wait3A_188 = tpu.memref_squeeze %dma_wait3A_187 : memref<1x128xi32, #tpu.memory_space<vmem>> -> memref<128xi32, #tpu.memory_space<vmem>>
        %dma_wait3A_189 = arith.constant 0 : i32
        %dma_wait3A_190 = arith.constant 0 : i32
        %dma_wait3A_191 = tpu.memref_slice %arg16[%dma_wait3A_189, %dma_wait3A_190] : memref<10112x64xf32, #tpu.memory_space<vmem_shared>> -> memref<10112x64xf32, #tpu.memory_space<vmem_shared>>
        tpu.wait_indirect_dma semaphore(%arg22 : memref<!tpu.dma_semaphore, #tpu.memory_space<semaphore_mem>>) src(%arg13 : memref<128x64xf32, #tpu.memory_space<vmem>>) dst(%dma_wait3A_191 : memref<10112x64xf32, #tpu.memory_space<vmem_shared>>)
        %dma_start3A_192 = arith.constant 0 : i32
        %dma_start3A_193 = tpu.memref_slice %arg10[%add3A_160, %dma_start3A_192] : memref<160x128xi32, #tpu.memory_space<vmem>> -> memref<1x128xi32, #tpu.memory_space<vmem>>
        %dma_start3A_194 = tpu.memref_squeeze %dma_start3A_193 : memref<1x128xi32, #tpu.memory_space<vmem>> -> memref<128xi32, #tpu.memory_space<vmem>>
        %dma_start3A_195 = arith.constant 0 : i32
        %dma_start3A_196 = arith.constant 0 : i32
        %dma_start3A_197 = tpu.memref_slice %arg2[%dma_start3A_195, %dma_start3A_196] : memref<20000x64xf32, #tpu.memory_space<hbm>> -> memref<20000x64xf32, #tpu.memory_space<hbm>>
        tpu.enqueue_indirect_dma source(%dma_start3A_197 : memref<20000x64xf32, #tpu.memory_space<hbm>>) target(%arg13 : memref<128x64xf32, #tpu.memory_space<vmem>>) offsets(%dma_start3A_194 : memref<128xi32, #tpu.memory_space<vmem>>) semaphore(%arg18 : memref<!tpu.dma_semaphore, #tpu.memory_space<semaphore_mem>>)
      } else {
      }
      %add3A_166 = arith.constant 2 : i32
      %add3A_167 = arith.addi %mul3A_75, %add3A_166 : i32
      %add3A_168 = arith.constant 4 : i32
      %add3A_169 = arith.addi %add3A_167, %add3A_168 : i32
      %lt3A_170 = arith.constant 160 : i32
      %lt3A_171 = arith.cmpi slt, %add3A_169, %lt3A_170 : i32
      %convert_element_type3A_172 = arith.extui %lt3A_171 : i1 to i32
      %cond3A_173 = arith.constant 0 : i32
      %cond3A_174 = arith.cmpi ne, %convert_element_type3A_172, %cond3A_173 : i32
      scf.if %cond3A_174 {
        %add3A_184 = arith.constant 2 : i32
        %add3A_185 = arith.addi %mul3A_75, %add3A_184 : i32
        %dma_wait3A_186 = arith.constant 0 : i32
        %dma_wait3A_187 = tpu.memref_slice %arg11[%add3A_185, %dma_wait3A_186] : memref<160x128xi32, #tpu.memory_space<vmem>> -> memref<1x128xi32, #tpu.memory_space<vmem>>
        %dma_wait3A_188 = tpu.memref_squeeze %dma_wait3A_187 : memref<1x128xi32, #tpu.memory_space<vmem>> -> memref<128xi32, #tpu.memory_space<vmem>>
        %dma_wait3A_189 = arith.constant 0 : i32
        %dma_wait3A_190 = arith.constant 0 : i32
        %dma_wait3A_191 = tpu.memref_slice %arg16[%dma_wait3A_189, %dma_wait3A_190] : memref<10112x64xf32, #tpu.memory_space<vmem_shared>> -> memref<10112x64xf32, #tpu.memory_space<vmem_shared>>
        tpu.wait_indirect_dma semaphore(%arg23 : memref<!tpu.dma_semaphore, #tpu.memory_space<semaphore_mem>>) src(%arg14 : memref<128x64xf32, #tpu.memory_space<vmem>>) dst(%dma_wait3A_191 : memref<10112x64xf32, #tpu.memory_space<vmem_shared>>)
        %dma_start3A_192 = arith.constant 0 : i32
        %dma_start3A_193 = tpu.memref_slice %arg10[%add3A_169, %dma_start3A_192] : memref<160x128xi32, #tpu.memory_space<vmem>> -> memref<1x128xi32, #tpu.memory_space<vmem>>
        %dma_start3A_194 = tpu.memref_squeeze %dma_start3A_193 : memref<1x128xi32, #tpu.memory_space<vmem>> -> memref<128xi32, #tpu.memory_space<vmem>>
        %dma_start3A_195 = arith.constant 0 : i32
        %dma_start3A_196 = arith.constant 0 : i32
        %dma_start3A_197 = tpu.memref_slice %arg2[%dma_start3A_195, %dma_start3A_196] : memref<20000x64xf32, #tpu.memory_space<hbm>> -> memref<20000x64xf32, #tpu.memory_space<hbm>>
        tpu.enqueue_indirect_dma source(%dma_start3A_197 : memref<20000x64xf32, #tpu.memory_space<hbm>>) target(%arg14 : memref<128x64xf32, #tpu.memory_space<vmem>>) offsets(%dma_start3A_194 : memref<128xi32, #tpu.memory_space<vmem>>) semaphore(%arg19 : memref<!tpu.dma_semaphore, #tpu.memory_space<semaphore_mem>>)
      } else {
      }
      %add3A_175 = arith.constant 3 : i32
      %add3A_176 = arith.addi %mul3A_75, %add3A_175 : i32
      %add3A_177 = arith.constant 4 : i32
      %add3A_178 = arith.addi %add3A_176, %add3A_177 : i32
      %lt3A_179 = arith.constant 160 : i32
      %lt3A_180 = arith.cmpi slt, %add3A_178, %lt3A_179 : i32
      %convert_element_type3A_181 = arith.extui %lt3A_180 : i1 to i32
      %cond3A_182 = arith.constant 0 : i32
      %cond3A_183 = arith.cmpi ne, %convert_element_type3A_181, %cond3A_182 : i32
      scf.if %cond3A_183 {
        %add3A_184 = arith.constant 3 : i32
        %add3A_185 = arith.addi %mul3A_75, %add3A_184 : i32
        %dma_wait3A_186 = arith.constant 0 : i32
        %dma_wait3A_187 = tpu.memref_slice %arg11[%add3A_185, %dma_wait3A_186] : memref<160x128xi32, #tpu.memory_space<vmem>> -> memref<1x128xi32, #tpu.memory_space<vmem>>
        %dma_wait3A_188 = tpu.memref_squeeze %dma_wait3A_187 : memref<1x128xi32, #tpu.memory_space<vmem>> -> memref<128xi32, #tpu.memory_space<vmem>>
        %dma_wait3A_189 = arith.constant 0 : i32
        %dma_wait3A_190 = arith.constant 0 : i32
        %dma_wait3A_191 = tpu.memref_slice %arg16[%dma_wait3A_189, %dma_wait3A_190] : memref<10112x64xf32, #tpu.memory_space<vmem_shared>> -> memref<10112x64xf32, #tpu.memory_space<vmem_shared>>
        tpu.wait_indirect_dma semaphore(%arg24 : memref<!tpu.dma_semaphore, #tpu.memory_space<semaphore_mem>>) src(%arg15 : memref<128x64xf32, #tpu.memory_space<vmem>>) dst(%dma_wait3A_191 : memref<10112x64xf32, #tpu.memory_space<vmem_shared>>)
        %dma_start3A_192 = arith.constant 0 : i32
        %dma_start3A_193 = tpu.memref_slice %arg10[%add3A_178, %dma_start3A_192] : memref<160x128xi32, #tpu.memory_space<vmem>> -> memref<1x128xi32, #tpu.memory_space<vmem>>
        %dma_start3A_194 = tpu.memref_squeeze %dma_start3A_193 : memref<1x128xi32, #tpu.memory_space<vmem>> -> memref<128xi32, #tpu.memory_space<vmem>>
        %dma_start3A_195 = arith.constant 0 : i32
        %dma_start3A_196 = arith.constant 0 : i32
        %dma_start3A_197 = tpu.memref_slice %arg2[%dma_start3A_195, %dma_start3A_196] : memref<20000x64xf32, #tpu.memory_space<hbm>> -> memref<20000x64xf32, #tpu.memory_space<hbm>>
        tpu.enqueue_indirect_dma source(%dma_start3A_197 : memref<20000x64xf32, #tpu.memory_space<hbm>>) target(%arg15 : memref<128x64xf32, #tpu.memory_space<vmem>>) offsets(%dma_start3A_194 : memref<128xi32, #tpu.memory_space<vmem>>) semaphore(%arg20 : memref<!tpu.dma_semaphore, #tpu.memory_space<semaphore_mem>>)
      } else {
      }
    }
    %scan3A_40 = arith.constant 40 : i32
    %dma_wait3A = arith.constant 156 : i32
    %dma_wait3A_41 = arith.constant 0 : i32
    %dma_wait3A_42 = tpu.memref_slice %arg11[%dma_wait3A, %dma_wait3A_41] : memref<160x128xi32, #tpu.memory_space<vmem>> -> memref<1x128xi32, #tpu.memory_space<vmem>>
    %dma_wait3A_43 = tpu.memref_squeeze %dma_wait3A_42 : memref<1x128xi32, #tpu.memory_space<vmem>> -> memref<128xi32, #tpu.memory_space<vmem>>
    %dma_wait3A_44 = arith.constant 0 : i32
    %dma_wait3A_45 = arith.constant 0 : i32
    %dma_wait3A_46 = tpu.memref_slice %arg16[%dma_wait3A_44, %dma_wait3A_45] : memref<10112x64xf32, #tpu.memory_space<vmem_shared>> -> memref<10112x64xf32, #tpu.memory_space<vmem_shared>>
    tpu.wait_indirect_dma semaphore(%arg21 : memref<!tpu.dma_semaphore, #tpu.memory_space<semaphore_mem>>) src(%arg12 : memref<128x64xf32, #tpu.memory_space<vmem>>) dst(%dma_wait3A_46 : memref<10112x64xf32, #tpu.memory_space<vmem_shared>>)
    %dma_wait3A_47 = arith.constant 157 : i32
    %dma_wait3A_48 = arith.constant 0 : i32
    %dma_wait3A_49 = tpu.memref_slice %arg11[%dma_wait3A_47, %dma_wait3A_48] : memref<160x128xi32, #tpu.memory_space<vmem>> -> memref<1x128xi32, #tpu.memory_space<vmem>>
    %dma_wait3A_50 = tpu.memref_squeeze %dma_wait3A_49 : memref<1x128xi32, #tpu.memory_space<vmem>> -> memref<128xi32, #tpu.memory_space<vmem>>
    %dma_wait3A_51 = arith.constant 0 : i32
    %dma_wait3A_52 = arith.constant 0 : i32
    %dma_wait3A_53 = tpu.memref_slice %arg16[%dma_wait3A_51, %dma_wait3A_52] : memref<10112x64xf32, #tpu.memory_space<vmem_shared>> -> memref<10112x64xf32, #tpu.memory_space<vmem_shared>>
    tpu.wait_indirect_dma semaphore(%arg22 : memref<!tpu.dma_semaphore, #tpu.memory_space<semaphore_mem>>) src(%arg13 : memref<128x64xf32, #tpu.memory_space<vmem>>) dst(%dma_wait3A_53 : memref<10112x64xf32, #tpu.memory_space<vmem_shared>>)
    %dma_wait3A_54 = arith.constant 158 : i32
    %dma_wait3A_55 = arith.constant 0 : i32
    %dma_wait3A_56 = tpu.memref_slice %arg11[%dma_wait3A_54, %dma_wait3A_55] : memref<160x128xi32, #tpu.memory_space<vmem>> -> memref<1x128xi32, #tpu.memory_space<vmem>>
    %dma_wait3A_57 = tpu.memref_squeeze %dma_wait3A_56 : memref<1x128xi32, #tpu.memory_space<vmem>> -> memref<128xi32, #tpu.memory_space<vmem>>
    %dma_wait3A_58 = arith.constant 0 : i32
    %dma_wait3A_59 = arith.constant 0 : i32
    %dma_wait3A_60 = tpu.memref_slice %arg16[%dma_wait3A_58, %dma_wait3A_59] : memref<10112x64xf32, #tpu.memory_space<vmem_shared>> -> memref<10112x64xf32, #tpu.memory_space<vmem_shared>>
    tpu.wait_indirect_dma semaphore(%arg23 : memref<!tpu.dma_semaphore, #tpu.memory_space<semaphore_mem>>) src(%arg14 : memref<128x64xf32, #tpu.memory_space<vmem>>) dst(%dma_wait3A_60 : memref<10112x64xf32, #tpu.memory_space<vmem_shared>>)
    %dma_wait3A_61 = arith.constant 159 : i32
    %dma_wait3A_62 = arith.constant 0 : i32
    %dma_wait3A_63 = tpu.memref_slice %arg11[%dma_wait3A_61, %dma_wait3A_62] : memref<160x128xi32, #tpu.memory_space<vmem>> -> memref<1x128xi32, #tpu.memory_space<vmem>>
    %dma_wait3A_64 = tpu.memref_squeeze %dma_wait3A_63 : memref<1x128xi32, #tpu.memory_space<vmem>> -> memref<128xi32, #tpu.memory_space<vmem>>
    %dma_wait3A_65 = arith.constant 0 : i32
    %dma_wait3A_66 = arith.constant 0 : i32
    %dma_wait3A_67 = tpu.memref_slice %arg16[%dma_wait3A_65, %dma_wait3A_66] : memref<10112x64xf32, #tpu.memory_space<vmem_shared>> -> memref<10112x64xf32, #tpu.memory_space<vmem_shared>>
    tpu.wait_indirect_dma semaphore(%arg24 : memref<!tpu.dma_semaphore, #tpu.memory_space<semaphore_mem>>) src(%arg15 : memref<128x64xf32, #tpu.memory_space<vmem>>) dst(%dma_wait3A_67 : memref<10112x64xf32, #tpu.memory_space<vmem_shared>>)
    %barrier3A_68 = arith.constant 0 : index
    tpu.barrier barrier_id(%barrier3A_68)
    "tpu.region"() ({
      %run_scoped3A = tpu.sem_alloc : memref<!tpu.dma_semaphore, #tpu.memory_space<semaphore_mem>>
      %dma_start3A_69 = arith.constant 0 : i32
      %dma_start3A_70 = tpu.memref_slice %arg8[%arg0, %mul3A_0, %dma_start3A_69] : memref<2x10112x64xf32, #tpu.memory_space<hbm>> -> memref<1x632x64xf32, #tpu.memory_space<hbm>>
      %dma_start3A_71 = tpu.memref_squeeze %dma_start3A_70 : memref<1x632x64xf32, #tpu.memory_space<hbm>> -> memref<632x64xf32, #tpu.memory_space<hbm>>
      %dma_start3A_72 = arith.constant 0 : i32
      %dma_start3A_73 = tpu.memref_slice %arg16[%mul3A_0, %dma_start3A_72] : memref<10112x64xf32, #tpu.memory_space<vmem_shared>> -> memref<632x64xf32, #tpu.memory_space<vmem_shared>>
      tpu.enqueue_dma source(%dma_start3A_73 : memref<632x64xf32, #tpu.memory_space<vmem_shared>>) target(%dma_start3A_71 : memref<632x64xf32, #tpu.memory_space<hbm>>) target_semaphore(%run_scoped3A : memref<!tpu.dma_semaphore, #tpu.memory_space<semaphore_mem>>)
      %dma_wait3A_74 = arith.constant 0 : i32
      %dma_wait3A_75 = tpu.memref_slice %arg8[%arg0, %mul3A_0, %dma_wait3A_74] : memref<2x10112x64xf32, #tpu.memory_space<hbm>> -> memref<1x632x64xf32, #tpu.memory_space<hbm>>
      %dma_wait3A_76 = tpu.memref_squeeze %dma_wait3A_75 : memref<1x632x64xf32, #tpu.memory_space<hbm>> -> memref<632x64xf32, #tpu.memory_space<hbm>>
      %dma_wait3A_77 = arith.constant 0 : i32
      %dma_wait3A_78 = tpu.memref_slice %arg16[%mul3A_0, %dma_wait3A_77] : memref<10112x64xf32, #tpu.memory_space<vmem_shared>> -> memref<632x64xf32, #tpu.memory_space<vmem_shared>>
      tpu.wait_dma2 semaphore(%run_scoped3A : memref<!tpu.dma_semaphore, #tpu.memory_space<semaphore_mem>>) src(%dma_wait3A_78 : memref<632x64xf32, #tpu.memory_space<vmem_shared>>) dst(%dma_wait3A_76 : memref<632x64xf32, #tpu.memory_space<hbm>>)
      tpu.yield
    }) : () -> ()
    "tpu.region"() ({
      %run_scoped3A = tpu.sem_alloc : memref<!tpu.dma_semaphore, #tpu.memory_space<semaphore_mem>>
      %dma_start3A_69 = arith.constant 0 : i32
      %dma_start3A_70 = tpu.memref_slice %arg9[%arg0, %mul3A_0, %dma_start3A_69] : memref<2x10112x16xf32, #tpu.memory_space<hbm>> -> memref<1x632x16xf32, #tpu.memory_space<hbm>>
      %dma_start3A_71 = tpu.memref_squeeze %dma_start3A_70 : memref<1x632x16xf32, #tpu.memory_space<hbm>> -> memref<632x16xf32, #tpu.memory_space<hbm>>
      %dma_start3A_72 = arith.constant 0 : i32
      %dma_start3A_73 = tpu.memref_slice %arg26[%mul3A_0, %dma_start3A_72] : memref<10112x16xf32, #tpu.memory_space<vmem_shared>> -> memref<632x16xf32, #tpu.memory_space<vmem_shared>>
      tpu.enqueue_dma source(%dma_start3A_73 : memref<632x16xf32, #tpu.memory_space<vmem_shared>>) target(%dma_start3A_71 : memref<632x16xf32, #tpu.memory_space<hbm>>) target_semaphore(%run_scoped3A : memref<!tpu.dma_semaphore, #tpu.memory_space<semaphore_mem>>)
      %dma_wait3A_74 = arith.constant 0 : i32
      %dma_wait3A_75 = tpu.memref_slice %arg9[%arg0, %mul3A_0, %dma_wait3A_74] : memref<2x10112x16xf32, #tpu.memory_space<hbm>> -> memref<1x632x16xf32, #tpu.memory_space<hbm>>
      %dma_wait3A_76 = tpu.memref_squeeze %dma_wait3A_75 : memref<1x632x16xf32, #tpu.memory_space<hbm>> -> memref<632x16xf32, #tpu.memory_space<hbm>>
      %dma_wait3A_77 = arith.constant 0 : i32
      %dma_wait3A_78 = tpu.memref_slice %arg26[%mul3A_0, %dma_wait3A_77] : memref<10112x16xf32, #tpu.memory_space<vmem_shared>> -> memref<632x16xf32, #tpu.memory_space<vmem_shared>>
      tpu.wait_dma2 semaphore(%run_scoped3A : memref<!tpu.dma_semaphore, #tpu.memory_space<semaphore_mem>>) src(%dma_wait3A_78 : memref<632x16xf32, #tpu.memory_space<vmem_shared>>) dst(%dma_wait3A_76 : memref<632x16xf32, #tpu.memory_space<hbm>>)
      tpu.yield
    }) : () -> ()
    return
  }
}

</mosaic_0001>

<sc_bundles>
// kernel: _sc_segment_sum.3.cloned.1.call-start
scs
__scs_entry_jumppad:
0x0: {  	(pc) =	sbr.rel $0x88, $3  }
0x1: {  	(tag) =	ssettag $0x0;
	lr =	simm.s32 $0x1  }
0x2: {  	[smem:$0x3F9B] =	sst lr;
	_ =	strace $0xD0000000  }
0x3: {  	_ = 	snop  }
0x4: {  	_ = 	snop  }
0x5: {  	_ = 	snop  }
0x6: {  	_ = 	snop  }
0x7: {  	_ = 	snop  }
__scs_overlays_trampoline_lowered:
0x8: {  	[smem:$0x3FAA] =	sst s0  }
0x9: {  	[smem:$0x3FAB] =	sst s1  }
0xa: {  	[smem:$0x3FAC] =	sst s2  }
0xb: {  	[smem:$0x3FAD] =	sst s3  }
0xc: {  	[smem:$0x3FAE] =	sst s4  }
0xd: {  	[smem:$0x3FAF] =	sst s5  }
0xe: {  	[smem:$0x3FB0] =	sst s6  }
0xf: {  	[smem:$0x3FB1] =	sst s7  }
0x10: {  	[smem:$0x3FB2] =	sst s8  }
0x11: {  	[smem:$0x3FB3] =	sst s9;
	s0 =	simm.s32 @!p0 $0x0  }
0x12: {  	s1 =	sld [smem:$0x3F99];
	s0 =	simm.s32 @p0 $0x1  }
0x13: {  	[smem:$0x3FB4] =	sst s0;
	s0 =	simm.s32 @!p1 $0x0  }
0x14: {  	s2 =	sld [smem:$0x3F98];
	s0 =	simm.s32 @p1 $0x1  }
0x15: {  	[smem:$0x3FB5] =	sst s0;
	s0 =	simm.s32 @!p2 $0x0  }
0x16: {  	s3 =	sld [smem:$0x3FDB];
	s0 =	simm.s32 @p2 $0x1  }
0x17: {  	s4 =	simm.s32 $0x1BF5;
	[smem:$0x3FB7] =	sst s0  }
0x18: {  	s0 =	sld [smem:$0x3F9A];
	_ =	swait.ge [sflag:s4], $0x0  }
0x19: {  	s7 =	sld [smem:$0x3F9B]  }
0x1a: {  	s8 =	sadd.s32 $0xFFFFE003, lr  }
0x1b: {  	s9 =	sadd.s32 $0xFFFFFEF7, lr;
	s5 =	simm.s32 $0xFFFFFFFF;
	p2 =	slt.u32 s8, $0xFFFFF086  }
0x1c: {  	p1 =	slt.u32 s9, $0xF7A;
	s5 =	simm.s32 @!p2 $0x0  }
0x1d: {  	s5 =	simm.s32 @p1 $0x1;
	p0 =	seq.s32 s7, s2  }
0x1e: {  	s7 =	smul.u32 @!p0 $0xF7A, s2;
	p2 =	seq.s32 @!p0 s5, $0x0  }
0x1f: {  	s9 =	smul.u32 $0xF7A, s1;
	s8 =	simm.s32 @!p0 $0x1BF5;
	p2 =	por !p2, p0  }
0x20: {  	[sflag:s8] =	ssyncset.s32 @!p0 $0xFFFFF086;
	s6 =	sadd.s32 @!p0 s3, s7;
	s7 =	simm.s32 @!p0 $0x108  }
0x21: {  	s3 =	sadd.s32 s3, s9;
	s6 =	sadd.s32 @!p0 $0x88, s6;
	s7 =	simm.s32 @p2 $0x1082  }
0x22: {  	[simem:s7], [sflag:s8] =	dma.local @!p0 [hbm:s6], $0xF7A  }
0x23: {  	s9 =	sor.u32 $0xD0000000, s2;
	s6 =	simm.s32 $0x108;
	_ =	swait.ge @!p0 [sflag:s8], $0x0  }
0x24: {  	s3 =	sadd.s32 $0x88, s3;
	s6 =	simm.s32 @!p1 $0x1082;
	[sflag:s4] =	ssyncset.s32 $0xFFFFF086  }
0x25: {  	[simem:s6], [sflag:s4] =	dma.local [hbm:s3], $0xF7A  }
0x26: {  	[smem:$0x3F9B] =	sst s1;
	(tag) =	ssettag s2;
	_ =	strace s9  }
0x27: {  	s1 =	sld [smem:$0x3FAB]  }
0x28: {  	s2 =	sld [smem:$0x3FAC]  }
0x29: {  	s4 =	sld [smem:$0x3FAE]  }
0x2a: {  	p0 =	seq.s32 s5, $0x0;
	s5 =	sld [smem:$0x3FAF]  }
0x2b: {  	s6 =	sld [smem:$0x3FB0]  }
0x2c: {  	s7 =	sld [smem:$0x3FB1]  }
0x2d: {  	s3 =	simm.s32 $0x108;
	s8 =	sld [smem:$0x3FB2]  }
0x2e: {  	s3 =	simm.s32 @!p0 $0x1082;
	s9 =	sld [smem:$0x3FB3]  }
0x2f: {  	lr =	sadd.s32 s0, s3;
	s0 =	sld [smem:$0x3FAA]  }
0x30: {  	s3 =	sld [smem:$0x3FAD]  }
0x31: {  	[smem:$0x3FB6] =	sst s10  }
0x32: {  	s10 =	sld [smem:$0x3FB4];
	_ =	sdelay $0x3  }
0x33: {  	p0 =	seq.s32 s10, $0x1;
	s10 =	sld [smem:$0x3FB6];
	_ =	sdelay $0x3  }
0x34: {  	[smem:$0x3FB6] =	sst s10  }
0x35: {  	s10 =	sld [smem:$0x3FB5];
	_ =	sdelay $0x3  }
0x36: {  	p1 =	seq.s32 s10, $0x1;
	s10 =	sld [smem:$0x3FB6];
	_ =	sdelay $0x3  }
0x37: {  	[smem:$0x3FB6] =	sst s10  }
0x38: {  	s10 =	sld [smem:$0x3FB7]  }
0x39: {  	_ = 	snop;
	(pc) =	sbr.ind lr, $3  }
0x3a: {  	_ = 	snop  }
0x3b: {  	_ = 	snop  }
0x3c: {  	p2 =	seq.s32 s10, $0x1;
	s10 =	sld [smem:$0x3FB6]  }
0x3d: {  	_ =	shalt  }
0x3e: {  	_ =	shalt  }
0x3f: {  	_ =	shalt  }
0x40: {  	_ =	shalt  }
0x41: {  	_ =	shalt  }
0x42: {  	_ =	shalt  }
0x43: {  	_ =	shalt  }
0x44: {  	_ =	shalt  }
0x45: {  	_ =	shalt  }
0x46: {  	_ =	shalt  }
0x47: {  	_ =	shalt  }
0x48: {  	_ =	shalt  }
0x49: {  	_ =	shalt  }
0x4a: {  	_ =	shalt  }
0x4b: {  	_ =	shalt  }
0x4c: {  	_ =	shalt  }
0x4d: {  	_ =	shalt  }
0x4e: {  	_ =	shalt  }
0x4f: {  	_ =	shalt  }
0x50: {  	_ =	shalt  }
0x51: {  	_ =	shalt  }
0x52: {  	_ =	shalt  }
0x53: {  	_ =	shalt  }
0x54: {  	_ =	shalt  }
0x55: {  	_ =	shalt  }
0x56: {  	_ =	shalt  }
0x57: {  	_ =	shalt  }
0x58: {  	_ =	shalt  }
0x59: {  	_ =	shalt  }
0x5a: {  	_ =	shalt  }
0x5b: {  	_ =	shalt  }
0x5c: {  	_ =	shalt  }
0x5d: {  	_ =	shalt  }
0x5e: {  	_ =	shalt  }
0x5f: {  	_ =	shalt  }
0x60: {  	_ =	shalt  }
0x61: {  	_ =	shalt  }
0x62: {  	_ =	shalt  }
0x63: {  	_ =	shalt  }
0x64: {  	_ =	shalt  }
0x65: {  	_ =	shalt  }
0x66: {  	_ =	shalt  }
0x67: {  	_ =	shalt  }
0x68: {  	_ =	shalt  }
0x69: {  	_ =	shalt  }
0x6a: {  	_ =	shalt  }
0x6b: {  	_ =	shalt  }
0x6c: {  	_ =	shalt  }
0x6d: {  	_ =	shalt  }
0x6e: {  	_ =	shalt  }
0x6f: {  	_ =	shalt  }
0x70: {  	_ =	shalt  }
0x71: {  	_ =	shalt  }
0x72: {  	_ =	shalt  }
0x73: {  	_ =	shalt  }
0x74: {  	_ =	shalt  }
0x75: {  	_ =	shalt  }
0x76: {  	_ =	shalt  }
0x77: {  	_ =	shalt  }
0x78: {  	_ =	shalt  }
0x79: {  	_ =	shalt  }
0x7a: {  	_ =	shalt  }
0x7b: {  	_ =	shalt  }
0x7c: {  	_ =	shalt  }
0x7d: {  	_ =	shalt  }
0x7e: {  	_ =	shalt  }
0x7f: {  	_ =	shalt  }
0x80: {  	_ =	shalt  }
0x81: {  	_ =	shalt  }
0x82: {  	_ =	shalt  }
0x83: {  	_ =	shalt  }
0x84: {  	_ =	shalt  }
0x85: {  	_ =	shalt  }
0x86: {  	_ =	shalt  }
0x87: {  	_ =	shalt  }
.Lfunc_end0:
.L_simem_size_0:
called_computation_lowered:
.L_overlay_start_0:
0x88: {  	s2 =	sld [smem:$0x3FD9]  }
0x89: {  	s3 =	sld [smem:$0x3FFE];
	_ =	sdelay $0x1  }
0x8a: {  	s1 =	srdreg.scid  }
0x8b: {  	s0 =	sand.u32 $0x1, s1  }
0x8c: {  	s14 =	sshll.u32 s0, $0xA;
	s2 =	sadd.s32 s3, s2  }
0x8d: {  	s2 =	sadd.s32 s2, s14  }
0x8e: {  	[smem:$0x3FC2] =	sst s2  }
0x8f: {  	_ = 	snop  }
0x90: {  	s2 =	sld [smem:$0x3FD0];
	_ =	sdelay $0x1  }
0x91: {  	s15 =	sld [smem:$0x3FC8]  }
0x92: {  	s5 =	simm.s32 $0xA;
	s6 =	simm.s32 $0x10;
	s4 =	sld [smem:$0x3FC7]  }
0x93: {  	[smem:s6], [sflag:s5] =	dma.local [hbm:s2], $0x1  }
0x94: {  	_ =	swait.eq [sflag:s5], $0x1  }
0x95: {  	[sflag:s5] =	ssyncset.done $0x0  }
0x96: {  	s16 =	sld [smem:$0x10];
	[sflag:s5] =	ssyncadd.s32 $0xFFFFFFFF  }
0x97: {  	s17 =	sld [smem:$0x11];
	(tm) =	ssettm $0x1  }
0x98: {  	s18 =	sld [smem:$0x3FFB];
	_ =	sdelay $0x3  }
0x99: {  	_ =	strace s18  }
0x9a: {  	s6 =	sld [smem:$0x3FFC];
	_ =	sdelay $0x3  }
0x9b: {  	_ =	strace s6  }
0x9c: {  	s6 =	sld [smem:$0x3FFD];
	_ =	sdelay $0x3  }
0x9d: {  	_ =	strace s6  }
0x9e: {  	_ =	strace $0x8FFFFFFF  }
0x9f: {  	s19 =	sld [smem:$0x3FDB];
	_ =	sdelay $0x1  }
0xa0: {  	s7 =	simm.s32 $_scs_section_size  }
0xa1: {  	s8 =	simm.s32 $_size__tile_overlayer_lowered;
	s9 =	simm.s32 $_tile_overlayer_lowered  }
0xa2: {  	s22 =	simm.s32 $0x1BFF;
	s21 =	sshll.u32 s9, $0x1;
	s6 =	sadd.s32 s7, s19  }
0xa3: {  	s10 =	simm.s32 $0x0;
	s20 =	sshll.u32 s8, $0x1;
	s8 =	sadd.s32 s21, s6  }
0xa4: {  	[timem:s10], [sflag:s22] =	dma.local [hbm:s8], s20  }
0xa5: {  	_ =	swait.ge [sflag:s22], s20  }
0xa6: {  	s7 =	ssub.s32 $0x0, s20;
	[sflag:s22] =	ssyncset.done $0x0  }
0xa7: {  	[sflag:s22] =	ssyncadd.s32 s7;
	_ =	sdelay $0x1  }
0xa8: {  	s23 =	simm.s32 $0x1B8B  }
0xa9: {  	_ =	swait.ge [sflag:s23], $0x1  }
0xaa: {  	[sflag:s23] =	ssyncset.done $0x0  }
0xab: {  	s25 =	simm.s32 $0x1B8E;
	s24 =	sld [smem:$0x3FFE];
	[sflag:s23] =	ssyncadd.s32 $0xFFFFFFFF  }
0xac: {  	s26 =	simm.s32 $execute0_lowered;
	[smem:$0x3FD2] =	sst s25  }
0xad: {  	s8 =	sshll.u32 s26, $0x1;
	_ =	strace $0x80000046;
	[dreg:$0x1] =	wrdreg $0xFFFFFFFF  }
0xae: {  	s28 =	simm.s32 $_size_execute0_lowered;
	s6 =	sadd.s32 s6, s8;
	[dreg:$0x0] =	wrdreg $0x0  }
0xaf: {  	s8 =	sshll.u32 s28, $0x1;
	[dreg:$0x2] =	wrdreg s6  }
0xb0: {  	[dreg:$0x3] =	wrdreg s8  }
0xb1: {  	[dreg:$0x4] =	wrdreg $0xC0  }
0xb2: {  	_ =	task [dreg:s10], $0x5FFFF  }
0xb3: {  	[dreg:$0x1] =	wrdreg $0xFFFFFFFF  }
0xb4: {  	[dreg:$0x0] =	wrdreg $0x60  }
0xb5: {  	[dreg:$0x2] =	wrdreg s24  }
0xb6: {  	[dreg:$0x3] =	wrdreg s15  }
0xb7: {  	[dreg:$0x4] =	wrdreg s4  }
0xb8: {  	[dreg:$0x5] =	wrdreg s16  }
0xb9: {  	[dreg:$0x6] =	wrdreg s17  }
0xba: {  	[dreg:$0x7] =	wrdreg $0x120000  }
0xbb: {  	[dreg:$0x8] =	wrdreg $0x1C6000  }
0xbc: {  	[dreg:$0x9] =	wrdreg $0x9  }
0xbd: {  	_ =	task.clear_ibuf [dreg:s10], $0xAFFFF;
	_ =	strace $0x90000046  }
0xbe: {  	s29 =	simm.s32 $0x9;
	_ =	strace $0x80000048  }
0xbf: {  	_ =	swait.ge [sflag:s29], $0x1  }
0xc0: {  	[sflag:s29] =	ssyncadd.s32 $0xFFFFFFFF  }
0xc1: {  	_ =	strace $0x90000048  }
0xc2: {  	_ =	sfence  }
0xc3: {  	s30 =	sld [smem:$0x0];
	_ =	sdelay $0x2  }
0xc4: {  	s31 =	sshll.u32 s1, $0xD;
	s1 =	sshrl.u32 s1, $0x2  }
0xc5: {  	s3 =	sand.u32 $0x4000, s31;
	s1 =	sadd.s32 s1, s30  }
0xc6: {  	s0 =	sor.u32 s3, s0;
	s1 =	sshll.u32 s1, $0x11  }
0xc7: {  	s0 =	sor.u32 s1, s0  }
0xc8: {  	s0 =	sadd.s32 $0x8F2B, s0  }
0xc9: {  	[sflag:s0] =	ssyncadd.remote.s32 $0x1  }
0xca: {  	_ =	sfence.sel $0xFFFF  }
0xcb: {  	[dreg:$0x0] =	wrdreg $0xFFFFFFFF;
	(pc) =	sbr.abs _section_cstart, $3  }
0xcc: {  	[dreg:$0x1] =	wrdreg $0xFFFFFFFF  }
0xcd: {  	_ =	task.clear_ibuf [dreg:s10], $0x2FFFF;
	_ =	strace $0x9FFFFFFF  }
0xce: {  	(tm) =	ssettm $0x7FFFFFFF  }
0xcf: {  	_ =	shalt  }
tec
execute0_lowered:
.L_overlay_start_1:
0x0: {  	(tag) =	ssettag $0x1  }
0x1: {  	s0 =	rddreg [dreg:$0x0]  }
0x2: {  	s2 =	rddreg [dreg:$0x1]  }
0x3: {  	s7 =	rddreg [dreg:$0x2]  }
0x4: {  	s8 =	rddreg [dreg:$0x3]  }
0x5: {  	s9 =	rddreg [dreg:$0x4]  }
0x6: {  	s1 =	rddreg [dreg:$0x5]  }
0x7: {  	s3 =	rddreg [dreg:$0x6];
	s6 =	simm.s32 $0x0  }
0x8: {  	s5 =	srdreg.scid;
	s4 =	stileid.u32;
	s29 =	simm.s32 $0xE000  }
0x9: {  	s31 =	simm.s32 $0x10000;
	s28 =	simm.s32 $0x5;
	s11 =	smul.u32 $0x5000, s4  }
0xa: {  	[smem:$0x7FF] =	sst s6;
	s10 =	sand.u32 $0x1, s5;
	s18 =	smul.u32 $0x9E00, s4  }
0xb: {  	s5 =	sadd.s32 $0x1600, s0;
	s6 =	sadd.s32 $0xA00, s0;
	s15 =	smul.u32 $0x27800, s4  }
0xc: {  	s13 =	sadd.s32 $0x1000, s0;
	s0 =	sadd.s32 $0xE00, s0;
	s21 =	smul.u32 $0x2780, s4  }
0xd: {  	_ =	strace $0x80000047;
	s12 =	smul.u32 $0x50000, s10;
	[dreg:$0x8] =	wrdreg s13  }
0xe: {  	s30 =	simm.s32 $0x6;
	[dreg:$0x9] =	wrdreg s0;
	s23 =	smul.u32 $0x9E000, s10  }
0xf: {  	s17 =	ssub.s32 $0x2, s10;
	s25 =	smul.u32 $0x27800, s10;
	p0 =	sne.s32 s10, $0x0  }
0x10: {  	p1 =	seq.s32 s10, $0x0;
	s14 =	sshrl.u32 s17, $0x1;
	s22 =	sshrl.u32 s15, $0x2  }
0x11: {  	s26 =	sadd.s32 s18, s1;
	s15 =	simm.s32 $0x9;
	s12 =	sadd.s32 s11, s12  }
0x12: {  	s0 =	ssub.s32 s17, s14;
	s11 =	sshrl.u32 s11, $0x3;
	s24 =	sadd.s32 s22, s1  }
0x13: {  	s13 =	sadd.s32 s18, s23;
	s22 =	sshll.u32 s4, $0x6;
	s12 =	sshrl.u32 s12, $0x3  }
0x14: {  	s7 =	sadd.s32 s7, s11;
	s16 =	sadd.s32 $0x2000, s24;
	s19 =	sadd.s32 $0x4000, s24  }
0x15: {  	s20 =	sadd.s32 $0x6000, s24;
	s11 =	sadd.s32 s21, s25;
	s13 =	sshrl.u32 s13, $0x3  }
0x16: {  	s0 =	smax.u32 s0, $0x1;
	s17 =	sor.u32 $0x1C09, s22;
	s2 =	sadd.s32 s2, s12  }
0x17: {  	[dreg:$0xb] =	wrdreg s7;
	s7 =	sadd.s32 $0x8000, s24;
	s11 =	sshrl.u32 s11, $0x3  }
0x18: {  	s18 =	sadd.s32 s8, s13;
	[dreg:$0xf] =	wrdreg s0;
	s23 =	sshrl.u32 s16, $0x3  }
0x19: {  	s24 =	sshrl.u32 s19, $0x3;
	s25 =	sshrl.u32 s20, $0x3;
	[dreg:$0xa] =	wrdreg s2  }
0x1a: {  	s0 =	simm.s32 $0x1;
	s16 =	simm.s32 $0x3;
	[dreg:$0xd] =	wrdreg s18  }
0x1b: {  	s8 =	simm.s32 $0x8;
	s2 =	sadd.s32 s21, s3;
	[dreg:$0x10] =	wrdreg s23  }
0x1c: {  	s21 =	sadd.s32 s9, s11;
	s18 =	sshrl.u32 s26, $0x3;
	[dreg:$0x11] =	wrdreg s24  }
0x1d: {  	[dreg:$0x12] =	wrdreg s25;
	s26 =	sshrl.u32 s7, $0x3;
	s24 =	simm.s32 $0x80  }
0x1e: {  	s25 =	simm.s32 $0xA000;
	s23 =	simm.s32 $0x4;
	[dreg:$0xc] =	wrdreg s2  }
0x1f: {  	s7 =	simm.s32 $0x7;
	s9 =	simm.s32 $0x0;
	[dreg:$0xe] =	wrdreg s21  }
0x20: {  	[dreg:$0x13] =	wrdreg s26;
	s26 =	simm.s32 $0xC000;
	s2 =	simm.s32 $0x2  }
.LBB2_1:
0x21: {  	s4 =	simm.s32 $0x0;
	s10 =	rddreg [dreg:$0xa]  }
0x22: {  	[tilespmem:s4], [sflag:$0x9] =	stream.linear.gather [hbm4b:s10+s4], $0x5000, $0x38;
	[tilespmem:$0x1ED80] =	vst v63  }
0x23: {  	_ =	swait.ge [sflag:s15], $0x5000  }
0x24: {  	[sflag:s15] =	ssyncset.done $0x0  }
0x25: {  	s11 =	simm.s32 $0x5000;
	s20 =	rddreg [dreg:$0xb];
	[sflag:s15] =	ssyncadd.s32 $0xFFFFB000  }
0x26: {  	[tilespmem:s11], [sflag:$0x9] =	stream.linear.gather [hbm4b:s20+s4], $0x5000, $0x38;
	[tilespmem:$0x1ED80] =	vst v63  }
0x27: {  	_ =	swait.ge [sflag:s15], $0x5000  }
0x28: {  	[sflag:s15] =	ssyncset.done $0x0  }
0x29: {  	[sflag:s15] =	ssyncadd.s32 $0xFFFFB000  }
0x2a: {  	[spmem:s18], [sflag:s17] =	dma.local [hbm:s6], $0x400  }
0x2b: {  	_ =	swait.ge [sflag:s15], $0x400  }
0x2c: {  	[sflag:s15] =	ssyncset.done $0x0  }
0x2d: {  	s21 =	rddreg [dreg:$0x10];
	[sflag:s15] =	ssyncadd.s32 $0xFFFFFC00  }
0x2e: {  	[spmem:s21], [sflag:s17] =	dma.local [hbm:s6], $0x400  }
0x2f: {  	_ =	swait.ge [sflag:s15], $0x400  }
0x30: {  	[sflag:s15] =	ssyncset.done $0x0  }
0x31: {  	s22 =	rddreg [dreg:$0x11];
	[sflag:s15] =	ssyncadd.s32 $0xFFFFFC00  }
0x32: {  	[spmem:s22], [sflag:s17] =	dma.local [hbm:s6], $0x400  }
0x33: {  	_ =	swait.ge [sflag:s15], $0x400  }
0x34: {  	[sflag:s15] =	ssyncset.done $0x0  }
0x35: {  	s11 =	rddreg [dreg:$0x12];
	[sflag:s15] =	ssyncadd.s32 $0xFFFFFC00  }
0x36: {  	[spmem:s11], [sflag:s17] =	dma.local [hbm:s6], $0x400  }
0x37: {  	_ =	swait.ge [sflag:s15], $0x400  }
0x38: {  	[sflag:s15] =	ssyncset.done $0x0  }
0x39: {  	s12 =	rddreg [dreg:$0x13];
	[sflag:s15] =	ssyncadd.s32 $0xFFFFFC00  }
0x3a: {  	[spmem:s12], [sflag:s17] =	dma.local [hbm:s6], $0x3C0  }
0x3b: {  	_ =	swait.ge [sflag:s15], $0x3C0  }
0x3c: {  	[sflag:s15] =	ssyncset.done $0x0;
	s13 =	rddreg [dreg:$0xc]  }
0x3d: {  	s14 =	rddreg [dreg:$0x8];
	[sflag:s15] =	ssyncadd.s32 $0xFFFFFC40;
	s10 =	sshrl.u32 s13, $0x3  }
0x3e: {  	[spmem:s10], [sflag:s17] =	dma.local [hbm:s14], $0x4F0  }
0x3f: {  	_ =	swait.ge [sflag:s15], $0x4F0  }
0x40: {  	[sflag:s15] =	ssyncset.done $0x0  }
0x41: {  	s12 =	simm.s32 $0x1BE00;
	s19 =	rddreg [dreg:$0x9];
	[sflag:s15] =	ssyncadd.s32 $0xFFFFFB10  }
0x42: {  	[tilespmem:s12], [sflag:$0x9] =	stream.linear.gather [hbm4b:s19+s4], $0x800, $0x38;
	[tilespmem:$0x1ED80] =	vst v63  }
0x43: {  	_ =	swait.ge [sflag:s15], $0x800  }
0x44: {  	[sflag:s15] =	ssyncset.done $0x0  }
0x45: {  	[sflag:s15] =	ssyncadd.s32 $0xFFFFF800  }
0x46: {  	[bflag:$0x0] =	sbarrier.arrive $0xFFFF  }
0x47: {  	[tilespmem:s25], [sflag:$0x1] =	stream.indirect.gather [hbm4b:s5+s24], $0x40, s4, s24, $0xb8;
	[tilespmem:$0x1ED80] =	vst v63  }
0x48: {  	_ = 	snop  }
0x49: {  	[tilespmem:s26], [sflag:$0x2] =	stream.indirect.gather [hbm4b:s5+s24], $0x40, s24, s24, $0xb8;
	[tilespmem:$0x1ED80] =	vst v63  }
0x4a: {  	s20 =	simm.s32 $0x100  }
0x4b: {  	[tilespmem:s29], [sflag:$0x3] =	stream.indirect.gather [hbm4b:s5+s24], $0x40, s20, s24, $0xb8;
	[tilespmem:$0x1ED80] =	vst v63  }
0x4c: {  	s21 =	simm.s32 $0x180  }
0x4d: {  	[tilespmem:s31], [sflag:$0x4] =	stream.indirect.gather [hbm4b:s5+s24], $0x40, s21, s24, $0xb8;
	[tilespmem:$0x1ED80] =	vst v63  }
0x4e: {  	_ =	swait.ge [sflag:s0], $0x2000  }
0x4f: {  	[sflag:s0] =	ssyncset.done $0x0  }
0x50: {  	s14 =	simm.s32 $0x5000;
	[sflag:s0] =	ssyncadd.s32 $0xFFFFE000  }
0x51: {  	[spmem:s1] =	stream.indirect.scatter.add.f32 [tilespmem:s25], [sflag:$0x5], $0x40, s14, s24, $0xb8;
	[tilespmem:$0x1ED80] =	vst v63  }
0x52: {  	s11 =	simm.s32 @!p0 $0x80;
	s13 =	simm.s32 @!p0 $0x1BE00;
	s12 =	simm.s32 @!p0 $0x9  }
0x53: {  	[spmem:s3] =	stream.indirect.scatter.add.f32 @!p0 [tilespmem:s13], [sflag:$0x9], $0x10, s14, s11, $0xb8;
	[tilespmem:$0x1ED80] =	vst v63  }
0x54: {  	_ =	swait.ge @!p0 [sflag:s12], $0x800  }
0x55: {  	[sflag:s12] =	ssyncset.done @!p0 $0x0  }
0x56: {  	[sflag:s12] =	ssyncadd.s32 @!p0 $0xFFFFF800  }
0x57: {  	_ =	swait.ge [sflag:s2], $0x2000  }
0x58: {  	[sflag:s2] =	ssyncset.done $0x0  }
0x59: {  	s21 =	simm.s32 $0x5080;
	[sflag:s2] =	ssyncadd.s32 $0xFFFFE000  }
0x5a: {  	[spmem:s1] =	stream.indirect.scatter.add.f32 [tilespmem:s26], [sflag:$0x6], $0x40, s21, s24, $0xb8;
	[tilespmem:$0x1ED80] =	vst v63  }
0x5b: {  	s19 =	simm.s32 @!p1 $0x1BE00;
	s20 =	simm.s32 @!p1 $0x9;
	s14 =	simm.s32 @!p1 $0x80  }
0x5c: {  	[spmem:s3] =	stream.indirect.scatter.add.f32 @!p1 [tilespmem:s19], [sflag:$0x9], $0x10, s21, s14, $0xb8;
	[tilespmem:$0x1ED80] =	vst v63  }
0x5d: {  	_ =	swait.ge @!p1 [sflag:s20], $0x800  }
0x5e: {  	[sflag:s20] =	ssyncset.done @!p1 $0x0  }
0x5f: {  	[sflag:s20] =	ssyncadd.s32 @!p1 $0xFFFFF800  }
0x60: {  	_ =	swait.ge [sflag:s16], $0x2000  }
0x61: {  	[sflag:s16] =	ssyncset.done $0x0  }
0x62: {  	s21 =	simm.s32 $0x5100;
	[sflag:s16] =	ssyncadd.s32 $0xFFFFE000  }
0x63: {  	[spmem:s1] =	stream.indirect.scatter.add.f32 [tilespmem:s29], [sflag:$0x7], $0x40, s21, s24, $0xb8;
	[tilespmem:$0x1ED80] =	vst v63  }
0x64: {  	_ = 	snop  }
0x65: {  	[spmem:s3] =	stream.indirect.scatter.add.f32 @!p0 [tilespmem:s13], [sflag:$0x9], $0x10, s21, s11, $0xb8;
	[tilespmem:$0x1ED80] =	vst v63  }
0x66: {  	_ =	swait.ge @!p0 [sflag:s12], $0x800  }
0x67: {  	[sflag:s12] =	ssyncset.done @!p0 $0x0  }
0x68: {  	[sflag:s12] =	ssyncadd.s32 @!p0 $0xFFFFF800  }
0x69: {  	_ =	swait.ge [sflag:s23], $0x2000  }
0x6a: {  	[sflag:s23] =	ssyncset.done $0x0  }
0x6b: {  	s21 =	simm.s32 $0x5180;
	[sflag:s23] =	ssyncadd.s32 $0xFFFFE000  }
0x6c: {  	[spmem:s1] =	stream.indirect.scatter.add.f32 [tilespmem:s31], [sflag:$0x8], $0x40, s21, s24, $0xb8;
	[tilespmem:$0x1ED80] =	vst v63  }
0x6d: {  	_ = 	snop  }
0x6e: {  	[spmem:s3] =	stream.indirect.scatter.add.f32 @!p1 [tilespmem:s19], [sflag:$0x9], $0x10, s21, s14, $0xb8;
	[tilespmem:$0x1ED80] =	vst v63  }
0x6f: {  	_ =	swait.ge @!p1 [sflag:s20], $0x800  }
0x70: {  	[sflag:s20] =	ssyncset.done @!p1 $0x0  }
0x71: {  	[sflag:s20] =	ssyncadd.s32 @!p1 $0xFFFFF800  }
0x72: {  	_ =	swait.ge [sflag:s28], $0x2000  }
0x73: {  	[sflag:s28] =	ssyncset.done $0x0  }
0x74: {  	s22 =	simm.s32 $0x200;
	[sflag:s28] =	ssyncadd.s32 $0xFFFFE000  }
0x75: {  	[tilespmem:s25], [sflag:$0x1] =	stream.indirect.gather [hbm4b:s5+s24], $0x40, s22, s24, $0xb8;
	[tilespmem:$0x1ED80] =	vst v63  }
0x76: {  	_ =	swait.ge [sflag:s30], $0x2000  }
0x77: {  	[sflag:s30] =	ssyncset.done $0x0  }
0x78: {  	s4 =	simm.s32 $0x280;
	[sflag:s30] =	ssyncadd.s32 $0xFFFFE000  }
0x79: {  	[tilespmem:s26], [sflag:$0x2] =	stream.indirect.gather [hbm4b:s5+s24], $0x40, s4, s24, $0xb8;
	[tilespmem:$0x1ED80] =	vst v63  }
0x7a: {  	_ =	swait.ge [sflag:s7], $0x2000  }
0x7b: {  	[sflag:s7] =	ssyncset.done $0x0  }
0x7c: {  	s22 =	simm.s32 $0x300;
	[sflag:s7] =	ssyncadd.s32 $0xFFFFE000  }
0x7d: {  	[tilespmem:s29], [sflag:$0x3] =	stream.indirect.gather [hbm4b:s5+s24], $0x40, s22, s24, $0xb8;
	[tilespmem:$0x1ED80] =	vst v63  }
0x7e: {  	_ =	swait.ge [sflag:s8], $0x2000  }
0x7f: {  	[sflag:s8] =	ssyncset.done $0x0  }
0x80: {  	s21 =	simm.s32 $0x800;
	s22 =	simm.s32 $0x380;
	[sflag:s8] =	ssyncadd.s32 $0xFFFFE000  }
.LBB2_2:
0x81: {  	[tilespmem:s31], [sflag:$0x4] =	stream.indirect.gather [hbm4b:s5+s24], $0x40, s22, s24, $0xb8;
	[tilespmem:$0x1ED80] =	vst v63  }
0x82: {  	s22 =	smov.u32 s21;
	s21 =	sadd.s32 $0x800, s21;
	_ =	swait.ge [sflag:s0], $0x2000  }
0x83: {  	s22 =	sshra.s32 s22, $0x2;
	p2 =	sne.s32 s21, $0x13800;
	[sflag:s0] =	ssyncset.done $0x0  }
0x84: {  	s4 =	sadd.s32 $0x5000, s22;
	[sflag:s0] =	ssyncadd.s32 $0xFFFFE000  }
0x85: {  	[spmem:s1] =	stream.indirect.scatter.add.f32 [tilespmem:s25], [sflag:$0x5], $0x40, s4, s24, $0xb8;
	[tilespmem:$0x1ED80] =	vst v63  }
0x86: {  	_ = 	snop  }
0x87: {  	[spmem:s3] =	stream.indirect.scatter.add.f32 @!p0 [tilespmem:s13], [sflag:$0x9], $0x10, s4, s11, $0xb8;
	[tilespmem:$0x1ED80] =	vst v63  }
0x88: {  	_ =	swait.ge @!p0 [sflag:s12], $0x800  }
0x89: {  	[sflag:s12] =	ssyncset.done @!p0 $0x0  }
0x8a: {  	[sflag:s12] =	ssyncadd.s32 @!p0 $0xFFFFF800  }
0x8b: {  	_ =	swait.ge [sflag:s2], $0x2000  }
0x8c: {  	[sflag:s2] =	ssyncset.done $0x0  }
0x8d: {  	s4 =	sadd.s32 $0x5080, s22;
	[sflag:s2] =	ssyncadd.s32 $0xFFFFE000  }
0x8e: {  	[spmem:s1] =	stream.indirect.scatter.add.f32 [tilespmem:s26], [sflag:$0x6], $0x40, s4, s24, $0xb8;
	[tilespmem:$0x1ED80] =	vst v63  }
0x8f: {  	_ = 	snop  }
0x90: {  	[spmem:s3] =	stream.indirect.scatter.add.f32 @!p1 [tilespmem:s19], [sflag:$0x9], $0x10, s4, s14, $0xb8;
	[tilespmem:$0x1ED80] =	vst v63  }
0x91: {  	_ =	swait.ge @!p1 [sflag:s20], $0x800  }
0x92: {  	[sflag:s20] =	ssyncset.done @!p1 $0x0  }
0x93: {  	[sflag:s20] =	ssyncadd.s32 @!p1 $0xFFFFF800  }
0x94: {  	_ =	swait.ge [sflag:s16], $0x2000  }
0x95: {  	[sflag:s16] =	ssyncset.done $0x0  }
0x96: {  	s4 =	sadd.s32 $0x5100, s22;
	[sflag:s16] =	ssyncadd.s32 $0xFFFFE000  }
0x97: {  	[spmem:s1] =	stream.indirect.scatter.add.f32 [tilespmem:s29], [sflag:$0x7], $0x40, s4, s24, $0xb8;
	[tilespmem:$0x1ED80] =	vst v63  }
0x98: {  	_ = 	snop  }
0x99: {  	[spmem:s3] =	stream.indirect.scatter.add.f32 @!p0 [tilespmem:s13], [sflag:$0x9], $0x10, s4, s11, $0xb8;
	[tilespmem:$0x1ED80] =	vst v63  }
0x9a: {  	_ =	swait.ge @!p0 [sflag:s12], $0x800  }
0x9b: {  	[sflag:s12] =	ssyncset.done @!p0 $0x0  }
0x9c: {  	[sflag:s12] =	ssyncadd.s32 @!p0 $0xFFFFF800  }
0x9d: {  	_ =	swait.ge [sflag:s23], $0x2000  }
0x9e: {  	[sflag:s23] =	ssyncset.done $0x0  }
0x9f: {  	s4 =	sadd.s32 $0x5180, s22;
	[sflag:s23] =	ssyncadd.s32 $0xFFFFE000  }
0xa0: {  	[spmem:s1] =	stream.indirect.scatter.add.f32 [tilespmem:s31], [sflag:$0x8], $0x40, s4, s24, $0xb8;
	[tilespmem:$0x1ED80] =	vst v63  }
0xa1: {  	_ = 	snop  }
0xa2: {  	[spmem:s3] =	stream.indirect.scatter.add.f32 @!p1 [tilespmem:s19], [sflag:$0x9], $0x10, s4, s14, $0xb8;
	[tilespmem:$0x1ED80] =	vst v63  }
0xa3: {  	_ =	swait.ge @!p1 [sflag:s20], $0x800  }
0xa4: {  	[sflag:s20] =	ssyncset.done @!p1 $0x0  }
0xa5: {  	[sflag:s20] =	ssyncadd.s32 @!p1 $0xFFFFF800  }
0xa6: {  	_ =	swait.ge [sflag:s28], $0x2000  }
0xa7: {  	[sflag:s28] =	ssyncset.done $0x0  }
0xa8: {  	s4 =	sadd.s32 $0x200, s22;
	[sflag:s28] =	ssyncadd.s32 $0xFFFFE000  }
0xa9: {  	[tilespmem:s25], [sflag:$0x1] =	stream.indirect.gather [hbm4b:s5+s24], $0x40, s4, s24, $0xb8;
	[tilespmem:$0x1ED80] =	vst v63  }
0xaa: {  	_ =	swait.ge [sflag:s30], $0x2000  }
0xab: {  	[sflag:s30] =	ssyncset.done $0x0  }
0xac: {  	s4 =	sadd.s32 $0x280, s22;
	[sflag:s30] =	ssyncadd.s32 $0xFFFFE000  }
0xad: {  	[tilespmem:s26], [sflag:$0x2] =	stream.indirect.gather [hbm4b:s5+s24], $0x40, s4, s24, $0xb8;
	[tilespmem:$0x1ED80] =	vst v63  }
0xae: {  	_ =	swait.ge [sflag:s7], $0x2000  }
0xaf: {  	[sflag:s7] =	ssyncset.done $0x0  }
.Ltmp0:
0xb0: {  	s4 =	sadd.s32 $0x300, s22;
	[sflag:s7] =	ssyncadd.s32 $0xFFFFE000;
	(pc) =	sbr.rel @p2 .LBB2_2-.Ltmp0, $4  }
0xb1: {  	[tilespmem:s29], [sflag:$0x3] =	stream.indirect.gather [hbm4b:s5+s24], $0x40, s4, s24, $0xb8;
	[tilespmem:$0x1ED80] =	vst v63  }
0xb2: {  	_ =	swait.ge [sflag:s8], $0x2000  }
0xb3: {  	[sflag:s8] =	ssyncset.done $0x0  }
0xb4: {  	s22 =	sadd.s32 $0x380, s22;
	[sflag:s8] =	ssyncadd.s32 $0xFFFFE000  }
0xb5: {  	[tilespmem:s31], [sflag:$0x4] =	stream.indirect.gather [hbm4b:s5+s24], $0x40, s22, s24, $0xb8;
	[tilespmem:$0x1ED80] =	vst v63  }
0xb6: {  	_ =	swait.ge [sflag:s0], $0x2000  }
0xb7: {  	[sflag:s0] =	ssyncset.done $0x0  }
0xb8: {  	s4 =	simm.s32 $0x9E00;
	[sflag:s0] =	ssyncadd.s32 $0xFFFFE000  }
0xb9: {  	[spmem:s1] =	stream.indirect.scatter.add.f32 [tilespmem:s25], [sflag:$0x5], $0x40, s4, s24, $0xb8;
	[tilespmem:$0x1ED80] =	vst v63  }
0xba: {  	s4 =	simm.s32 @p0 $0x2  }
0xbb: {  	_ =	swait.ge @p0 [sflag:s4], $0x2000  }
0xbc: {  	s14 =	simm.s32 @p0 $0x9E80;
	[sflag:s4] =	ssyncset.done @p0 $0x0  }
0xbd: {  	s19 =	simm.s32 @p0 $0xC000;
	[sflag:s4] =	ssyncadd.s32 @p0 $0xFFFFE000;
	s4 =	simm.s32 @p0 $0x80  }
0xbe: {  	[spmem:s1] =	stream.indirect.scatter.add.f32 @p0 [tilespmem:s19], [sflag:$0x6], $0x40, s14, s4, $0xb8;
	[tilespmem:$0x1ED80] =	vst v63  }
0xbf: {  	s19 =	simm.s32 @p0 $0x1BE00  }
0xc0: {  	[spmem:s3] =	stream.indirect.scatter.add.f32 @p0 [tilespmem:s19], [sflag:$0x9], $0x10, s14, s4, $0xb8;
	[tilespmem:$0x1ED80] =	vst v63  }
0xc1: {  	s14 =	simm.s32 @p0 $0x9  }
0xc2: {  	_ =	swait.ge @p0 [sflag:s14], $0x800  }
0xc3: {  	[sflag:s14] =	ssyncset.done @p0 $0x0  }
0xc4: {  	s20 =	simm.s32 @p0 $0x3;
	[sflag:s14] =	ssyncadd.s32 @p0 $0xFFFFF800  }
0xc5: {  	_ =	swait.ge @p0 [sflag:s20], $0x2000  }
0xc6: {  	[sflag:s20] =	ssyncset.done @p0 $0x0  }
0xc7: {  	s21 =	simm.s32 @p0 $0xE000;
	[sflag:s20] =	ssyncadd.s32 @p0 $0xFFFFE000;
	s20 =	simm.s32 @p0 $0x9F00  }
0xc8: {  	[spmem:s1] =	stream.indirect.scatter.add.f32 @p0 [tilespmem:s21], [sflag:$0x7], $0x40, s20, s4, $0xb8;
	[tilespmem:$0x1ED80] =	vst v63  }
0xc9: {  	s20 =	simm.s32 @p0 $0x4  }
0xca: {  	_ =	swait.ge @p0 [sflag:s20], $0x2000  }
0xcb: {  	[sflag:s20] =	ssyncset.done @p0 $0x0  }
0xcc: {  	s21 =	simm.s32 @p0 $0x10000;
	[sflag:s20] =	ssyncadd.s32 @p0 $0xFFFFE000;
	s20 =	simm.s32 @p0 $0x9F80  }
0xcd: {  	[spmem:s1] =	stream.indirect.scatter.add.f32 @p0 [tilespmem:s21], [sflag:$0x8], $0x40, s20, s4, $0xb8;
	[tilespmem:$0x1ED80] =	vst v63  }
0xce: {  	_ = 	snop  }
0xcf: {  	[spmem:s3] =	stream.indirect.scatter.add.f32 @p0 [tilespmem:s19], [sflag:$0x9], $0x10, s20, s4, $0xb8;
	[tilespmem:$0x1ED80] =	vst v63  }
0xd0: {  	_ =	swait.ge @p0 [sflag:s14], $0x800  }
0xd1: {  	[sflag:s14] =	ssyncset.done @p0 $0x0  }
0xd2: {  	s4 =	simm.s32 @!p0 $0x9E00;
	[sflag:s14] =	ssyncadd.s32 @p0 $0xFFFFF800  }
0xd3: {  	[spmem:s3] =	stream.indirect.scatter.add.f32 @!p0 [tilespmem:s13], [sflag:$0x9], $0x10, s4, s11, $0xb8;
	[tilespmem:$0x1ED80] =	vst v63  }
0xd4: {  	_ =	swait.ge @!p0 [sflag:s12], $0x800  }
0xd5: {  	[sflag:s12] =	ssyncset.done @!p0 $0x0  }
0xd6: {  	s4 =	simm.s32 @!p0 $0x2;
	[sflag:s12] =	ssyncadd.s32 @!p0 $0xFFFFF800  }
0xd7: {  	_ =	swait.ge @!p0 [sflag:s4], $0x2000  }
0xd8: {  	[sflag:s4] =	ssyncset.done @!p0 $0x0  }
0xd9: {  	s14 =	simm.s32 @!p0 $0xC000;
	[sflag:s4] =	ssyncadd.s32 @!p0 $0xFFFFE000;
	s4 =	simm.s32 @!p0 $0x9E80  }
0xda: {  	[spmem:s1] =	stream.indirect.scatter.add.f32 @!p0 [tilespmem:s14], [sflag:$0x6], $0x40, s4, s11, $0xb8;
	[tilespmem:$0x1ED80] =	vst v63  }
0xdb: {  	s4 =	simm.s32 @!p0 $0x3  }
0xdc: {  	_ =	swait.ge @!p0 [sflag:s4], $0x2000  }
0xdd: {  	[sflag:s4] =	ssyncset.done @!p0 $0x0  }
0xde: {  	s14 =	simm.s32 @!p0 $0xE000;
	[sflag:s4] =	ssyncadd.s32 @!p0 $0xFFFFE000;
	s4 =	simm.s32 @!p0 $0x9F00  }
0xdf: {  	[spmem:s1] =	stream.indirect.scatter.add.f32 @!p0 [tilespmem:s14], [sflag:$0x7], $0x40, s4, s11, $0xb8;
	[tilespmem:$0x1ED80] =	vst v63  }
0xe0: {  	_ = 	snop  }
0xe1: {  	[spmem:s3] =	stream.indirect.scatter.add.f32 @!p0 [tilespmem:s13], [sflag:$0x9], $0x10, s4, s11, $0xb8;
	[tilespmem:$0x1ED80] =	vst v63  }
0xe2: {  	_ =	swait.ge @!p0 [sflag:s12], $0x800  }
0xe3: {  	[sflag:s12] =	ssyncset.done @!p0 $0x0  }
0xe4: {  	s4 =	simm.s32 @!p0 $0x4;
	[sflag:s12] =	ssyncadd.s32 @!p0 $0xFFFFF800  }
0xe5: {  	_ =	swait.ge @!p0 [sflag:s4], $0x2000  }
0xe6: {  	[sflag:s4] =	ssyncset.done @!p0 $0x0  }
0xe7: {  	s12 =	simm.s32 @!p0 $0x10000;
	[sflag:s4] =	ssyncadd.s32 @!p0 $0xFFFFE000;
	s4 =	simm.s32 @!p0 $0x9F80  }
0xe8: {  	[spmem:s1] =	stream.indirect.scatter.add.f32 @!p0 [tilespmem:s12], [sflag:$0x8], $0x40, s4, s11, $0xb8;
	[tilespmem:$0x1ED80] =	vst v63  }
0xe9: {  	_ =	swait.ge [sflag:s28], $0x2000  }
0xea: {  	[sflag:s28] =	ssyncset.done $0x0  }
0xeb: {  	[sflag:s28] =	ssyncadd.s32 $0xFFFFE000  }
0xec: {  	_ =	swait.ge [sflag:s30], $0x2000  }
0xed: {  	[sflag:s30] =	ssyncset.done $0x0  }
0xee: {  	[sflag:s30] =	ssyncadd.s32 $0xFFFFE000  }
0xef: {  	_ =	swait.ge [sflag:s7], $0x2000  }
0xf0: {  	[sflag:s7] =	ssyncset.done $0x0  }
0xf1: {  	[sflag:s7] =	ssyncadd.s32 $0xFFFFE000  }
0xf2: {  	_ =	swait.ge [sflag:s8], $0x2000  }
0xf3: {  	[sflag:s8] =	ssyncset.done $0x0  }
0xf4: {  	[sflag:s8] =	ssyncadd.s32 $0xFFFFE000  }
0xf5: {  	[bflag:$0x0] =	sbarrier.arrive $0xFFFF  }
0xf6: {  	s20 =	rddreg [dreg:$0xd]  }
0xf7: {  	[hbm:s20], [sflag:s17] =	dma.local [spmem:s18], $0x13C0  }
0xf8: {  	_ =	swait.ge [sflag:s15], $0x13C0  }
0xf9: {  	[sflag:s15] =	ssyncset.done $0x0  }
0xfa: {  	s21 =	rddreg [dreg:$0xe];
	[sflag:s15] =	ssyncadd.s32 $0xFFFFEC40  }
0xfb: {  	[hbm:s21], [sflag:s17] =	dma.local [spmem:s10], $0x4F0  }
0xfc: {  	_ =	swait.ge [sflag:s15], $0x4F0  }
0xfd: {  	s9 =	sadd.s32 $0x1, s9;
	s22 =	rddreg [dreg:$0xf]  }
0xfe: {  	p2 =	sne.s32 s9, s22  }
.Ltmp1:
0xff: {  	_ = 	snop;
	(pc) =	sbr.rel @p2 .LBB2_1-.Ltmp1, $3  }
0x100: {  	_ =	sdelay $0x1  }
0x101: {  	[sflag:s15] =	ssyncset.done $0x0  }
0x102: {  	[sflag:s15] =	ssyncadd.s32 $0xFFFFFB10  }
0x103: {  	_ =	sfence.sel $0x180000  }
0x104: {  	[bflag:$0x0] =	sbarrier.arrive $0xFFFF  }
0x105: {  	_ =	strace $0x90000047  }
0x106: {  	s0 =	stileid.u32;
	[bflag:$0x2] =	sbarrier.arrive $0xFFFF  }
0x107: {  	p0 =	sne.s32 s0, $0x0;
	s0 =	rddreg [dreg:$0x7]  }
0x108: {  	s0 =	sadd.s32 @!p0 $0x100000, s0  }
0x109: {  	[sflag:s0] =	ssyncadd.tile.s32 @!p0 $0x1;
	_ =	shalt  }
.Lfunc_end2:
_tile_overlayer_lowered:
.L_overlay_start_2:
0x10a: {  	(tag) =	ssettag $0x2  }
0x10b: {  	s0 =	rddreg [dreg:$0x0];
	s2 =	stileid.u32  }
0x10c: {  	s1 =	rddreg [dreg:$0x1];
	p0 =	sne.s32 s2, $0x0  }
0x10d: {  	s3 =	rddreg [dreg:$0x2];
	[bflag:$0x3] =	sbarrier.arrive $0xFFFF;
	s2 =	simm.s32 @!p0 $0x1C09  }
0x10e: {  	[timem:s3], [sflag:s2] =	dma.local @!p0 [hbm:s0], s1  }
0x10f: {  	s0 =	simm.s32 @!p0 $0x9  }
0x110: {  	_ =	swait.ge @!p0 [sflag:s0], s1  }
0x111: {  	s1 =	ssub.s32 @!p0 $0x0, s1;
	[sflag:s0] =	ssyncset.done @!p0 $0x0  }
0x112: {  	[sflag:s0] =	ssyncadd.s32 @!p0 s1  }
0x113: {  	[bflag:$0x3] =	sbarrier.arrive $0xFFFF  }
0x114: {  	_ =	shalt  }

</sc_bundles>
